<compile_context>
chip_gen: v7x
topology: tpu7x:2x2x1
jax: 0.10.2.dev20260603
libtpu: 0.0.44.dev20260713+nightly
codegen_flags: <defaults>
</compile_context>

<pallas_src>
import jax
import jax.numpy as jnp
from jax import lax
from jax.experimental import pallas as pl
from jax.experimental.pallas import tpu as pltpu
from jax.experimental.pallas import tpu_sc as plsc

NC = 2
NS = 16
NW = NC * NS
LANES = 16
CHUNK = 128
GROUP = 1


def _make_sc_agg(n_pad, n_chunks, d, pipelined=False):
  stride = n_pad // NS
  mesh = plsc.VectorSubcoreMesh(core_axis_name="c", subcore_axis_name="s")

  def body(table_h, src_h, dst_h, agg_out, cnt_out, src_v, dst_v, rows_vv,
           rows2_v, ones_v, agg_s, cnt_s, gsem, gsem2, csem):
    cid = lax.axis_index("c")
    sid = lax.axis_index("s")
    wid = sid * NC + cid

    zero16 = jnp.zeros((LANES,), jnp.float32)
    one16 = jnp.ones((LANES,), jnp.float32)

    def fill(i, carry):
      for k in range(d // LANES):
        rows_vv[i, pl.ds(k * LANES, LANES)] = zero16
        ones_v[i, pl.ds(k * LANES, LANES)] = one16
      return carry
    lax.fori_loop(0, GROUP * CHUNK, fill, 0)

    pltpu.sync_copy(src_h.at[wid], src_v)
    pltpu.sync_copy(dst_h.at[wid], dst_v)

    base = sid * stride
    blk = min(GROUP * CHUNK, stride)
    for k in range(stride // blk):
      pltpu.sync_copy(rows_vv.at[pl.ds(0, blk)],
                      agg_s.at[pl.ds(base + k * blk, blk)])
      pltpu.sync_copy(rows_vv.at[pl.ds(0, blk)],
                      cnt_s.at[pl.ds(base + k * blk, blk)])
    plsc.subcore_barrier()

    if pipelined:
      pltpu.async_copy(table_h.at[src_v.at[0]], rows2_v, gsem2)

      def ring_body(j, carry):
        par = lax.rem(j, 2)

        @pl.when(par == 0)
        def _():
          pltpu.make_async_copy(table_h.at[src_v.at[j]], rows2_v,
                                gsem2).wait()
          nxt = jnp.minimum(j + 1, n_chunks - 1)
          pltpu.async_copy(table_h.at[src_v.at[nxt]], rows_vv, gsem)
          cdma = pltpu.async_copy(ones_v, cnt_s.at[dst_v.at[j]], csem,
                                  add=True)
          pltpu.sync_copy(rows2_v, agg_s.at[dst_v.at[j]], add=True)
          cdma.wait()

        @pl.when(par == 1)
        def _():
          pltpu.make_async_copy(table_h.at[src_v.at[j]], rows_vv,
                                gsem).wait()
          nxt = jnp.minimum(j + 1, n_chunks - 1)
          pltpu.async_copy(table_h.at[src_v.at[nxt]], rows2_v, gsem2)
          cdma = pltpu.async_copy(ones_v, cnt_s.at[dst_v.at[j]], csem,
                                  add=True)
          pltpu.sync_copy(rows_vv, agg_s.at[dst_v.at[j]], add=True)
          cdma.wait()
        return carry
      lax.fori_loop(0, n_chunks, ring_body, 0)
      par_end = lax.rem(jnp.int32(n_chunks), 2)

      @pl.when(par_end == 0)
      def _():
        pltpu.make_async_copy(table_h.at[src_v.at[n_chunks - 1]], rows2_v,
                              gsem2).wait()

      @pl.when(par_end == 1)
      def _():
        pltpu.make_async_copy(table_h.at[src_v.at[n_chunks - 1]], rows_vv,
                              gsem).wait()
    else:
      def chunk_body(j, carry):
        idx_g = src_v.at[j]
        idx_s = dst_v.at[j]
        pltpu.async_copy(table_h.at[idx_g], rows_vv, gsem).wait()
        cdma = pltpu.async_copy(ones_v, cnt_s.at[idx_s], csem, add=True)
        pltpu.sync_copy(rows_vv, agg_s.at[idx_s], add=True)
        cdma.wait()
        return carry
      lax.fori_loop(0, n_chunks, chunk_body, 0)
    plsc.subcore_barrier()

    for k in range(stride // blk):
      pltpu.sync_copy(agg_s.at[pl.ds(base + k * blk, blk)],
                      rows_vv.at[pl.ds(0, blk)])
      pltpu.sync_copy(rows_vv.at[pl.ds(0, blk)],
                      agg_out.at[cid, pl.ds(base + k * blk, blk)])
      pltpu.sync_copy(cnt_s.at[pl.ds(base + k * blk, blk)],
                      ones_v.at[pl.ds(0, blk)])
      pltpu.sync_copy(ones_v.at[pl.ds(0, blk)],
                      cnt_out.at[cid, pl.ds(base + k * blk, blk)])

  return pl.kernel(
      body,
      out_type=[
          jax.ShapeDtypeStruct((NC, n_pad, d), jnp.float32),
          jax.ShapeDtypeStruct((NC, n_pad, d), jnp.float32),
      ],
      mesh=mesh,
      scratch_types=[
          pltpu.VMEM((n_chunks, GROUP * CHUNK), jnp.int32),
          pltpu.VMEM((n_chunks, GROUP * CHUNK), jnp.int32),
          pltpu.VMEM((GROUP * CHUNK, d), jnp.float32),
          pltpu.VMEM((GROUP * CHUNK, d), jnp.float32),
          pltpu.VMEM((GROUP * CHUNK, d), jnp.float32),
          pltpu.VMEM_SHARED((n_pad, d), jnp.float32),
          pltpu.VMEM_SHARED((n_pad, d), jnp.float32),
          pltpu.SemaphoreType.DMA,
          pltpu.SemaphoreType.DMA,
          pltpu.SemaphoreType.DMA,
      ],
  )


def _pad_edges(src, dst, n_chunks, dummy_row):
  e = src.shape[0]
  ep = NW * n_chunks * GROUP * CHUNK
  src_p = jnp.concatenate(
      [src, jnp.zeros((ep - e,), jnp.int32)]).reshape(NW, n_chunks, GROUP * CHUNK)
  dst_p = jnp.concatenate(
      [dst, jnp.full((ep - e,), dummy_row, jnp.int32)]
  ).reshape(NW, n_chunks, GROUP * CHUNK)
  return src_p, dst_p


def _dense_tail(x_tgt, agg, cnt, w1t, w2t, b2, gamma, beta, do_bn, d,
                pad_row0=0):
  n_tgt = x_tgt.shape[0]

  def body(x_ref, agg_ref, cnt_ref, w1_ref, w2_ref, b2_ref, g_ref, be_ref,
           o_ref):
    agg_sum = agg_ref[0, :n_tgt] + agg_ref[1, :n_tgt]
    cnt_sum = cnt_ref[0, :n_tgt, 0:1] + cnt_ref[1, :n_tgt, 0:1]
    if pad_row0:
      rowmask = (lax.broadcasted_iota(jnp.int32, (n_tgt, 1), 0) == 0)
      corr = jnp.where(rowmask, jnp.float32(pad_row0), 0.0)
      agg_sum = agg_sum - corr * x_ref[0:1, :]
      cnt_sum = cnt_sum - corr
    h_n = agg_sum / jnp.maximum(cnt_sum, 1.0)
    out = (jnp.dot(x_ref[...], w1_ref[...],
                   preferred_element_type=jnp.float32)
           + jnp.dot(h_n, w2_ref[...], preferred_element_type=jnp.float32)
           + b2_ref[...])
    nrm = jnp.sqrt(jnp.sum(out * out, axis=1, keepdims=True))
    out = out / jnp.maximum(nrm, 1e-12)
    if do_bn:
      mu = jnp.mean(out, axis=0, keepdims=True)
      var = jnp.mean(out * out, axis=0, keepdims=True) - mu * mu
      out = g_ref[...] * (out - mu) * lax.rsqrt(var + 1e-5) + be_ref[...]
      out = jnp.maximum(out, 0.0)
    o_ref[...] = out

  return pl.pallas_call(
      body,
      out_shape=jax.ShapeDtypeStruct((n_tgt, d), jnp.float32),
  )(x_tgt, agg, cnt, w1t, w2t, b2, gamma, beta)


def kernel(x, src0, dst0, src1, dst1,
           W1_0, W2_0, b2_0, gamma0, beta0,
           W1_1, W2_1, b2_1):
  n0, d = x.shape
  e0 = src0.shape[0]
  e1 = src1.shape[0]
  n1 = 4000
  n2 = 1024
  npad0 = 4096
  npad1 = 1024

  nch0 = -(-e0 // (NW * GROUP * CHUNK))
  nch1 = -(-e1 // (NW * GROUP * CHUNK))
  agg_fn0 = _make_sc_agg(npad0, nch0, d)
  agg_fn1 = _make_sc_agg(npad1, nch1, d, pipelined=True)

  src0_p, dst0_p = _pad_edges(src0, dst0, nch0, npad0 - 1)
  src1_p, dst1_p = _pad_edges(src1, dst1, nch1, 0)
  pad1 = NW * nch1 * CHUNK - e1

  agg0, cnt0 = agg_fn0(x, src0_p, dst0_p)
  h = _dense_tail(x[:n1], agg0, cnt0, W1_0.T, W2_0.T, b2_0.reshape(1, d),
                  gamma0.reshape(1, d), beta0.reshape(1, d), True, d)
  agg1, cnt1 = agg_fn1(h, src1_p, dst1_p)
  out = _dense_tail(h[:n2], agg1, cnt1, W1_1.T, W2_1.T, b2_1.reshape(1, d),
                    gamma0.reshape(1, d) * 0, beta0.reshape(1, d), False, d,
                    pad_row0=pad1)
  return out

# --- scband reference (transcript-rebuilt; emitter-appended) ---
"""Pipeline reference for scband-graphsage-51084341018870 (READ-ONLY COPY).

The authoritative reference and input builder live on the scoring server;
editing this copy changes nothing except your own understanding.
"""

import jax, jax.numpy as jnp
import numpy as np

N0 = 10000
N1 = 4000
N2 = 1024
E0 = 320000
E1 = 64000
D = 128


def setup_inputs(seed: int = 0) -> dict:
    key = jax.random.key(seed)
    ks = jax.random.split(key, 12)
    x = jax.random.normal(ks[0], (N0, D), dtype=jnp.float32)
    # layer-0 bipartite edges: src in [0,N0), dst in [0,N1)
    src0 = jax.random.randint(ks[1], (E0,), 0, N0, dtype=jnp.int32)
    dst0 = jax.random.randint(ks[2], (E0,), 0, N1, dtype=jnp.int32)
    # layer-1 bipartite edges: src in [0,N1), dst in [0,N2)
    src1 = jax.random.randint(ks[3], (E1,), 0, N1, dtype=jnp.int32)
    dst1 = jax.random.randint(ks[4], (E1,), 0, N2, dtype=jnp.int32)
    s = 1.0 / np.sqrt(D)
    W1_0 = jax.random.uniform(ks[5], (D, D), minval=-s, maxval=s, dtype=jnp.float32)
    W2_0 = jax.random.uniform(ks[6], (D, D), minval=-s, maxval=s, dtype=jnp.float32)
    b2_0 = jax.random.uniform(ks[7], (D,), minval=-s, maxval=s, dtype=jnp.float32)
    gamma0 = jnp.ones((D,), dtype=jnp.float32)
    beta0 = jnp.zeros((D,), dtype=jnp.float32)
    W1_1 = jax.random.uniform(ks[8], (D, D), minval=-s, maxval=s, dtype=jnp.float32)
    W2_1 = jax.random.uniform(ks[9], (D, D), minval=-s, maxval=s, dtype=jnp.float32)
    b2_1 = jax.random.uniform(ks[10], (D,), minval=-s, maxval=s, dtype=jnp.float32)
    return {
        "x": x,
        "src0": src0, "dst0": dst0,
        "src1": src1, "dst1": dst1,
        "W1_0": W1_0, "W2_0": W2_0, "b2_0": b2_0,
        "gamma0": gamma0, "beta0": beta0,
        "W1_1": W1_1, "W2_1": W2_1, "b2_1": b2_1,
    }


def _sage_conv(h, src, dst, n_tgt, W1, W2, b2):
    # adj_t.set_value(None) + torch_sparse.matmul(adj_t, h, reduce='mean'):
    # mean of source features over incoming edges per target node.
    h_tgt = h[:n_tgt]
    msgs = jnp.take(h, src, axis=0)                       # gather [E, D]
    agg = jax.ops.segment_sum(msgs, dst, num_segments=n_tgt)
    cnt = jax.ops.segment_sum(jnp.ones((src.shape[0], 1), h.dtype), dst, num_segments=n_tgt)
    h_n = agg / jnp.maximum(cnt, 1.0)
    out = h_tgt @ W1.T + h_n @ W2.T + b2
    # F.normalize(h, p=2, dim=1)
    norm = jnp.maximum(jnp.linalg.norm(out, axis=1, keepdims=True), 1e-12)
    return out / norm


def reference(x, src0, dst0, src1, dst1,
              W1_0, W2_0, b2_0, gamma0, beta0,
              W1_1, W2_1, b2_1):
    # layer 0
    h = _sage_conv(x, src0, dst0, N1, W1_0, W2_0, b2_0)
    # BatchNorm1d (training-mode batch statistics) + ReLU; dropout = identity (eval)
    mean = jnp.mean(h, axis=0)
    var = jnp.var(h, axis=0)
    h = gamma0 * (h - mean) / jnp.sqrt(var + 1e-5) + beta0
    h = jax.nn.relu(h)
    # layer 1 (last): no bn/relu/dropout
    h = _sage_conv(h, src1, dst1, N2, W1_1, W2_1, b2_1)
    return h

if __name__ == "__main__":
    import jax
    _d = setup_inputs()
    print(jax.jit(kernel)(*tuple(_d.values())))

</pallas_src>

<mosaic_0001>
#map = affine_map<(d0, d1) -> (0, 0)>
#map1 = affine_map<(d0, d1) -> (0, 0, 0)>
module attributes {stable_mosaic.version = 14 : i64} {
  func.func @body(%arg0: i32, %arg1: i32, %arg2: memref<4000x128xf32, #tpu.memory_space<hbm>>, %arg3: memref<32x16x128xi32, #tpu.memory_space<hbm>>, %arg4: memref<32x16x128xi32, #tpu.memory_space<hbm>>, %arg5: memref<2x1024x128xf32, #tpu.memory_space<hbm>>, %arg6: memref<2x1024x128xf32, #tpu.memory_space<hbm>>, %arg7: memref<16x128xi32, #tpu.memory_space<vmem>>, %arg8: memref<16x128xi32, #tpu.memory_space<vmem>>, %arg9: memref<128x128xf32, #tpu.memory_space<vmem>>, %arg10: memref<128x128xf32, #tpu.memory_space<vmem>>, %arg11: memref<128x128xf32, #tpu.memory_space<vmem>>, %arg12: memref<1024x128xf32, #tpu.memory_space<vmem_shared>>, %arg13: memref<1024x128xf32, #tpu.memory_space<vmem_shared>>, %arg14: memref<!tpu.dma_semaphore, #tpu.memory_space<semaphore_mem>>, %arg15: memref<!tpu.dma_semaphore, #tpu.memory_space<semaphore_mem>>, %arg16: memref<!tpu.dma_semaphore, #tpu.memory_space<semaphore_mem>>) attributes {dimension_semantics = [#tpu.dimension_semantics<core_parallel>, #tpu.dimension_semantics<subcore_parallel>], iteration_bounds = array<i64: 2, 16>, scalar_prefetch = 0 : i64, scratch_operands = 10 : i64, tpu.core_type = #tpu.core_type<sc_vector_subcore>, window_params = [{transform_indices = #map}, {transform_indices = #map1}, {transform_indices = #map1}, {transform_indices = #map1}, {transform_indices = #map1}]} {
    %mul3A = arith.constant 2 : i32
    %mul3A_0 = arith.muli %arg1, %mul3A : i32
    %add3A = arith.addi %mul3A_0, %arg0 : i32
    %broadcast_in_dim3A = arith.constant 0.000000e+00 : f32
    %broadcast_in_dim3A_1 = vector.broadcast %broadcast_in_dim3A : f32 to vector<16xf32>
    %broadcast_in_dim3A_2 = arith.constant 1.000000e+00 : f32
    %broadcast_in_dim3A_3 = vector.broadcast %broadcast_in_dim3A_2 : f32 to vector<16xf32>
    %scan3A = arith.constant 0 : i32
    %scan3A_4 = arith.constant 0 : i32
    %scan3A_5 = arith.constant 128 : i32
    %scan3A_6 = arith.addi %scan3A_4, %scan3A_5 : i32
    %scan3A_7 = arith.constant 1 : i32
    scf.for %scan3A_45 = %scan3A_4 to %scan3A_6 step %scan3A_7  : i32 {
      %swap3A = arith.index_cast %scan3A_45 : i32 to index
      %swap3A_46 = arith.constant 0 : index
      %swap3A_47 = tpu.vector_load %arg9[%swap3A, %swap3A_46] {strides = array<i32>} : memref<128x128xf32, #tpu.memory_space<vmem>>, vector<1x16xf32>,
      %swap3A_48 = vector.shape_cast %swap3A_47 : vector<1x16xf32> to vector<16xf32>
      %swap3A_49 = vector.shape_cast %broadcast_in_dim3A_1 : vector<16xf32> to vector<1x16xf32>
      tpu.vector_store %arg9[%swap3A, %swap3A_46], %swap3A_49 {strides = array<i32>} : memref<128x128xf32, #tpu.memory_space<vmem>>, vector<1x16xf32>,
      %swap3A_50 = arith.index_cast %scan3A_45 : i32 to index
      %swap3A_51 = arith.constant 0 : index
      %swap3A_52 = tpu.vector_load %arg11[%swap3A_50, %swap3A_51] {strides = array<i32>} : memref<128x128xf32, #tpu.memory_space<vmem>>, vector<1x16xf32>,
      %swap3A_53 = vector.shape_cast %swap3A_52 : vector<1x16xf32> to vector<16xf32>
      %swap3A_54 = vector.shape_cast %broadcast_in_dim3A_3 : vector<16xf32> to vector<1x16xf32>
      tpu.vector_store %arg11[%swap3A_50, %swap3A_51], %swap3A_54 {strides = array<i32>} : memref<128x128xf32, #tpu.memory_space<vmem>>, vector<1x16xf32>,
      %swap3A_55 = arith.index_cast %scan3A_45 : i32 to index
      %swap3A_56 = arith.constant 16 : index
      %swap3A_57 = tpu.vector_load %arg9[%swap3A_55, %swap3A_56] {strides = array<i32>} : memref<128x128xf32, #tpu.memory_space<vmem>>, vector<1x16xf32>,
      %swap3A_58 = vector.shape_cast %swap3A_57 : vector<1x16xf32> to vector<16xf32>
      %swap3A_59 = vector.shape_cast %broadcast_in_dim3A_1 : vector<16xf32> to vector<1x16xf32>
      tpu.vector_store %arg9[%swap3A_55, %swap3A_56], %swap3A_59 {strides = array<i32>} : memref<128x128xf32, #tpu.memory_space<vmem>>, vector<1x16xf32>,
      %swap3A_60 = arith.index_cast %scan3A_45 : i32 to index
      %swap3A_61 = arith.constant 16 : index
      %swap3A_62 = tpu.vector_load %arg11[%swap3A_60, %swap3A_61] {strides = array<i32>} : memref<128x128xf32, #tpu.memory_space<vmem>>, vector<1x16xf32>,
      %swap3A_63 = vector.shape_cast %swap3A_62 : vector<1x16xf32> to vector<16xf32>
      %swap3A_64 = vector.shape_cast %broadcast_in_dim3A_3 : vector<16xf32> to vector<1x16xf32>
      tpu.vector_store %arg11[%swap3A_60, %swap3A_61], %swap3A_64 {strides = array<i32>} : memref<128x128xf32, #tpu.memory_space<vmem>>, vector<1x16xf32>,
      %swap3A_65 = arith.index_cast %scan3A_45 : i32 to index
      %swap3A_66 = arith.constant 32 : index
      %swap3A_67 = tpu.vector_load %arg9[%swap3A_65, %swap3A_66] {strides = array<i32>} : memref<128x128xf32, #tpu.memory_space<vmem>>, vector<1x16xf32>,
      %swap3A_68 = vector.shape_cast %swap3A_67 : vector<1x16xf32> to vector<16xf32>
      %swap3A_69 = vector.shape_cast %broadcast_in_dim3A_1 : vector<16xf32> to vector<1x16xf32>
      tpu.vector_store %arg9[%swap3A_65, %swap3A_66], %swap3A_69 {strides = array<i32>} : memref<128x128xf32, #tpu.memory_space<vmem>>, vector<1x16xf32>,
      %swap3A_70 = arith.index_cast %scan3A_45 : i32 to index
      %swap3A_71 = arith.constant 32 : index
      %swap3A_72 = tpu.vector_load %arg11[%swap3A_70, %swap3A_71] {strides = array<i32>} : memref<128x128xf32, #tpu.memory_space<vmem>>, vector<1x16xf32>,
      %swap3A_73 = vector.shape_cast %swap3A_72 : vector<1x16xf32> to vector<16xf32>
      %swap3A_74 = vector.shape_cast %broadcast_in_dim3A_3 : vector<16xf32> to vector<1x16xf32>
      tpu.vector_store %arg11[%swap3A_70, %swap3A_71], %swap3A_74 {strides = array<i32>} : memref<128x128xf32, #tpu.memory_space<vmem>>, vector<1x16xf32>,
      %swap3A_75 = arith.index_cast %scan3A_45 : i32 to index
      %swap3A_76 = arith.constant 48 : index
      %swap3A_77 = tpu.vector_load %arg9[%swap3A_75, %swap3A_76] {strides = array<i32>} : memref<128x128xf32, #tpu.memory_space<vmem>>, vector<1x16xf32>,
      %swap3A_78 = vector.shape_cast %swap3A_77 : vector<1x16xf32> to vector<16xf32>
      %swap3A_79 = vector.shape_cast %broadcast_in_dim3A_1 : vector<16xf32> to vector<1x16xf32>
      tpu.vector_store %arg9[%swap3A_75, %swap3A_76], %swap3A_79 {strides = array<i32>} : memref<128x128xf32, #tpu.memory_space<vmem>>, vector<1x16xf32>,
      %swap3A_80 = arith.index_cast %scan3A_45 : i32 to index
      %swap3A_81 = arith.constant 48 : index
      %swap3A_82 = tpu.vector_load %arg11[%swap3A_80, %swap3A_81] {strides = array<i32>} : memref<128x128xf32, #tpu.memory_space<vmem>>, vector<1x16xf32>,
      %swap3A_83 = vector.shape_cast %swap3A_82 : vector<1x16xf32> to vector<16xf32>
      %swap3A_84 = vector.shape_cast %broadcast_in_dim3A_3 : vector<16xf32> to vector<1x16xf32>
      tpu.vector_store %arg11[%swap3A_80, %swap3A_81], %swap3A_84 {strides = array<i32>} : memref<128x128xf32, #tpu.memory_space<vmem>>, vector<1x16xf32>,
      %swap3A_85 = arith.index_cast %scan3A_45 : i32 to index
      %swap3A_86 = arith.constant 64 : index
      %swap3A_87 = tpu.vector_load %arg9[%swap3A_85, %swap3A_86] {strides = array<i32>} : memref<128x128xf32, #tpu.memory_space<vmem>>, vector<1x16xf32>,
      %swap3A_88 = vector.shape_cast %swap3A_87 : vector<1x16xf32> to vector<16xf32>
      %swap3A_89 = vector.shape_cast %broadcast_in_dim3A_1 : vector<16xf32> to vector<1x16xf32>
      tpu.vector_store %arg9[%swap3A_85, %swap3A_86], %swap3A_89 {strides = array<i32>} : memref<128x128xf32, #tpu.memory_space<vmem>>, vector<1x16xf32>,
      %swap3A_90 = arith.index_cast %scan3A_45 : i32 to index
      %swap3A_91 = arith.constant 64 : index
      %swap3A_92 = tpu.vector_load %arg11[%swap3A_90, %swap3A_91] {strides = array<i32>} : memref<128x128xf32, #tpu.memory_space<vmem>>, vector<1x16xf32>,
      %swap3A_93 = vector.shape_cast %swap3A_92 : vector<1x16xf32> to vector<16xf32>
      %swap3A_94 = vector.shape_cast %broadcast_in_dim3A_3 : vector<16xf32> to vector<1x16xf32>
      tpu.vector_store %arg11[%swap3A_90, %swap3A_91], %swap3A_94 {strides = array<i32>} : memref<128x128xf32, #tpu.memory_space<vmem>>, vector<1x16xf32>,
      %swap3A_95 = arith.index_cast %scan3A_45 : i32 to index
      %swap3A_96 = arith.constant 80 : index
      %swap3A_97 = tpu.vector_load %arg9[%swap3A_95, %swap3A_96] {strides = array<i32>} : memref<128x128xf32, #tpu.memory_space<vmem>>, vector<1x16xf32>,
      %swap3A_98 = vector.shape_cast %swap3A_97 : vector<1x16xf32> to vector<16xf32>
      %swap3A_99 = vector.shape_cast %broadcast_in_dim3A_1 : vector<16xf32> to vector<1x16xf32>
      tpu.vector_store %arg9[%swap3A_95, %swap3A_96], %swap3A_99 {strides = array<i32>} : memref<128x128xf32, #tpu.memory_space<vmem>>, vector<1x16xf32>,
      %swap3A_100 = arith.index_cast %scan3A_45 : i32 to index
      %swap3A_101 = arith.constant 80 : index
      %swap3A_102 = tpu.vector_load %arg11[%swap3A_100, %swap3A_101] {strides = array<i32>} : memref<128x128xf32, #tpu.memory_space<vmem>>, vector<1x16xf32>,
      %swap3A_103 = vector.shape_cast %swap3A_102 : vector<1x16xf32> to vector<16xf32>
      %swap3A_104 = vector.shape_cast %broadcast_in_dim3A_3 : vector<16xf32> to vector<1x16xf32>
      tpu.vector_store %arg11[%swap3A_100, %swap3A_101], %swap3A_104 {strides = array<i32>} : memref<128x128xf32, #tpu.memory_space<vmem>>, vector<1x16xf32>,
      %swap3A_105 = arith.index_cast %scan3A_45 : i32 to index
      %swap3A_106 = arith.constant 96 : index
      %swap3A_107 = tpu.vector_load %arg9[%swap3A_105, %swap3A_106] {strides = array<i32>} : memref<128x128xf32, #tpu.memory_space<vmem>>, vector<1x16xf32>,
      %swap3A_108 = vector.shape_cast %swap3A_107 : vector<1x16xf32> to vector<16xf32>
      %swap3A_109 = vector.shape_cast %broadcast_in_dim3A_1 : vector<16xf32> to vector<1x16xf32>
      tpu.vector_store %arg9[%swap3A_105, %swap3A_106], %swap3A_109 {strides = array<i32>} : memref<128x128xf32, #tpu.memory_space<vmem>>, vector<1x16xf32>,
      %swap3A_110 = arith.index_cast %scan3A_45 : i32 to index
      %swap3A_111 = arith.constant 96 : index
      %swap3A_112 = tpu.vector_load %arg11[%swap3A_110, %swap3A_111] {strides = array<i32>} : memref<128x128xf32, #tpu.memory_space<vmem>>, vector<1x16xf32>,
      %swap3A_113 = vector.shape_cast %swap3A_112 : vector<1x16xf32> to vector<16xf32>
      %swap3A_114 = vector.shape_cast %broadcast_in_dim3A_3 : vector<16xf32> to vector<1x16xf32>
      tpu.vector_store %arg11[%swap3A_110, %swap3A_111], %swap3A_114 {strides = array<i32>} : memref<128x128xf32, #tpu.memory_space<vmem>>, vector<1x16xf32>,
      %swap3A_115 = arith.index_cast %scan3A_45 : i32 to index
      %swap3A_116 = arith.constant 112 : index
      %swap3A_117 = tpu.vector_load %arg9[%swap3A_115, %swap3A_116] {strides = array<i32>} : memref<128x128xf32, #tpu.memory_space<vmem>>, vector<1x16xf32>,
      %swap3A_118 = vector.shape_cast %swap3A_117 : vector<1x16xf32> to vector<16xf32>
      %swap3A_119 = vector.shape_cast %broadcast_in_dim3A_1 : vector<16xf32> to vector<1x16xf32>
      tpu.vector_store %arg9[%swap3A_115, %swap3A_116], %swap3A_119 {strides = array<i32>} : memref<128x128xf32, #tpu.memory_space<vmem>>, vector<1x16xf32>,
      %swap3A_120 = arith.index_cast %scan3A_45 : i32 to index
      %swap3A_121 = arith.constant 112 : index
      %swap3A_122 = tpu.vector_load %arg11[%swap3A_120, %swap3A_121] {strides = array<i32>} : memref<128x128xf32, #tpu.memory_space<vmem>>, vector<1x16xf32>,
      %swap3A_123 = vector.shape_cast %swap3A_122 : vector<1x16xf32> to vector<16xf32>
      %swap3A_124 = vector.shape_cast %broadcast_in_dim3A_3 : vector<16xf32> to vector<1x16xf32>
      tpu.vector_store %arg11[%swap3A_120, %swap3A_121], %swap3A_124 {strides = array<i32>} : memref<128x128xf32, #tpu.memory_space<vmem>>, vector<1x16xf32>,
    }
    %scan3A_8 = arith.constant 128 : i32
    "tpu.region"() ({
      %run_scoped3A = tpu.sem_alloc : memref<!tpu.dma_semaphore, #tpu.memory_space<semaphore_mem>>
      %dma_start3A_45 = arith.constant 0 : i32
      %dma_start3A_46 = arith.constant 0 : i32
      %dma_start3A_47 = tpu.memref_slice %arg3[%add3A, %dma_start3A_45, %dma_start3A_46] : memref<32x16x128xi32, #tpu.memory_space<hbm>> -> memref<1x16x128xi32, #tpu.memory_space<hbm>>
      %dma_start3A_48 = tpu.memref_squeeze %dma_start3A_47 : memref<1x16x128xi32, #tpu.memory_space<hbm>> -> memref<16x128xi32, #tpu.memory_space<hbm>>
      %dma_start3A_49 = arith.constant 0 : i32
      %dma_start3A_50 = arith.constant 0 : i32
      %dma_start3A_51 = tpu.memref_slice %arg3[%add3A, %dma_start3A_49, %dma_start3A_50] : memref<32x16x128xi32, #tpu.memory_space<hbm>> -> memref<1x16x128xi32, #tpu.memory_space<hbm>>
      %dma_start3A_52 = tpu.memref_squeeze %dma_start3A_51 : memref<1x16x128xi32, #tpu.memory_space<hbm>> -> memref<16x128xi32, #tpu.memory_space<hbm>>
      tpu.enqueue_dma source(%dma_start3A_52 : memref<16x128xi32, #tpu.memory_space<hbm>>) target(%arg7 : memref<16x128xi32, #tpu.memory_space<vmem>>) target_semaphore(%run_scoped3A : memref<!tpu.dma_semaphore, #tpu.memory_space<semaphore_mem>>)
      %dma_wait3A = arith.constant 0 : i32
      %dma_wait3A_53 = arith.constant 0 : i32
      %dma_wait3A_54 = tpu.memref_slice %arg3[%add3A, %dma_wait3A, %dma_wait3A_53] : memref<32x16x128xi32, #tpu.memory_space<hbm>> -> memref<1x16x128xi32, #tpu.memory_space<hbm>>
      %dma_wait3A_55 = tpu.memref_squeeze %dma_wait3A_54 : memref<1x16x128xi32, #tpu.memory_space<hbm>> -> memref<16x128xi32, #tpu.memory_space<hbm>>
      %dma_wait3A_56 = arith.constant 0 : i32
      %dma_wait3A_57 = arith.constant 0 : i32
      %dma_wait3A_58 = tpu.memref_slice %arg3[%add3A, %dma_wait3A_56, %dma_wait3A_57] : memref<32x16x128xi32, #tpu.memory_space<hbm>> -> memref<1x16x128xi32, #tpu.memory_space<hbm>>
      %dma_wait3A_59 = tpu.memref_squeeze %dma_wait3A_58 : memref<1x16x128xi32, #tpu.memory_space<hbm>> -> memref<16x128xi32, #tpu.memory_space<hbm>>
      tpu.wait_dma2 semaphore(%run_scoped3A : memref<!tpu.dma_semaphore, #tpu.memory_space<semaphore_mem>>) src(%dma_wait3A_59 : memref<16x128xi32, #tpu.memory_space<hbm>>) dst(%arg7 : memref<16x128xi32, #tpu.memory_space<vmem>>)
      tpu.yield
    }) : () -> ()
    "tpu.region"() ({
      %run_scoped3A = tpu.sem_alloc : memref<!tpu.dma_semaphore, #tpu.memory_space<semaphore_mem>>
      %dma_start3A_45 = arith.constant 0 : i32
      %dma_start3A_46 = arith.constant 0 : i32
      %dma_start3A_47 = tpu.memref_slice %arg4[%add3A, %dma_start3A_45, %dma_start3A_46] : memref<32x16x128xi32, #tpu.memory_space<hbm>> -> memref<1x16x128xi32, #tpu.memory_space<hbm>>
      %dma_start3A_48 = tpu.memref_squeeze %dma_start3A_47 : memref<1x16x128xi32, #tpu.memory_space<hbm>> -> memref<16x128xi32, #tpu.memory_space<hbm>>
      %dma_start3A_49 = arith.constant 0 : i32
      %dma_start3A_50 = arith.constant 0 : i32
      %dma_start3A_51 = tpu.memref_slice %arg4[%add3A, %dma_start3A_49, %dma_start3A_50] : memref<32x16x128xi32, #tpu.memory_space<hbm>> -> memref<1x16x128xi32, #tpu.memory_space<hbm>>
      %dma_start3A_52 = tpu.memref_squeeze %dma_start3A_51 : memref<1x16x128xi32, #tpu.memory_space<hbm>> -> memref<16x128xi32, #tpu.memory_space<hbm>>
      tpu.enqueue_dma source(%dma_start3A_52 : memref<16x128xi32, #tpu.memory_space<hbm>>) target(%arg8 : memref<16x128xi32, #tpu.memory_space<vmem>>) target_semaphore(%run_scoped3A : memref<!tpu.dma_semaphore, #tpu.memory_space<semaphore_mem>>)
      %dma_wait3A = arith.constant 0 : i32
      %dma_wait3A_53 = arith.constant 0 : i32
      %dma_wait3A_54 = tpu.memref_slice %arg4[%add3A, %dma_wait3A, %dma_wait3A_53] : memref<32x16x128xi32, #tpu.memory_space<hbm>> -> memref<1x16x128xi32, #tpu.memory_space<hbm>>
      %dma_wait3A_55 = tpu.memref_squeeze %dma_wait3A_54 : memref<1x16x128xi32, #tpu.memory_space<hbm>> -> memref<16x128xi32, #tpu.memory_space<hbm>>
      %dma_wait3A_56 = arith.constant 0 : i32
      %dma_wait3A_57 = arith.constant 0 : i32
      %dma_wait3A_58 = tpu.memref_slice %arg4[%add3A, %dma_wait3A_56, %dma_wait3A_57] : memref<32x16x128xi32, #tpu.memory_space<hbm>> -> memref<1x16x128xi32, #tpu.memory_space<hbm>>
      %dma_wait3A_59 = tpu.memref_squeeze %dma_wait3A_58 : memref<1x16x128xi32, #tpu.memory_space<hbm>> -> memref<16x128xi32, #tpu.memory_space<hbm>>
      tpu.wait_dma2 semaphore(%run_scoped3A : memref<!tpu.dma_semaphore, #tpu.memory_space<semaphore_mem>>) src(%dma_wait3A_59 : memref<16x128xi32, #tpu.memory_space<hbm>>) dst(%arg8 : memref<16x128xi32, #tpu.memory_space<vmem>>)
      tpu.yield
    }) : () -> ()
    %mul3A_9 = arith.constant 64 : i32
    %mul3A_10 = arith.muli %arg1, %mul3A_9 : i32
    %add3A_11 = arith.constant 0 : i32
    %add3A_12 = arith.addi %mul3A_10, %add3A_11 : i32
    "tpu.region"() ({
      %run_scoped3A = tpu.sem_alloc : memref<!tpu.dma_semaphore, #tpu.memory_space<semaphore_mem>>
      %dma_start3A_45 = arith.constant 0 : i32
      %dma_start3A_46 = arith.constant 0 : i32
      %dma_start3A_47 = tpu.memref_slice %arg9[%dma_start3A_45, %dma_start3A_46] : memref<128x128xf32, #tpu.memory_space<vmem>> -> memref<64x128xf32, #tpu.memory_space<vmem>>
      %dma_start3A_48 = arith.constant 0 : i32
      %dma_start3A_49 = tpu.memref_slice %arg12[%add3A_12, %dma_start3A_48] : memref<1024x128xf32, #tpu.memory_space<vmem_shared>> -> memref<64x128xf32, #tpu.memory_space<vmem_shared>>
      %dma_start3A_50 = arith.constant 0 : i32
      %dma_start3A_51 = tpu.memref_slice %arg12[%add3A_12, %dma_start3A_50] : memref<1024x128xf32, #tpu.memory_space<vmem_shared>> -> memref<64x128xf32, #tpu.memory_space<vmem_shared>>
      %dma_start3A_52 = arith.constant 0 : i32
      %dma_start3A_53 = arith.constant 0 : i32
      %dma_start3A_54 = tpu.memref_slice %arg9[%dma_start3A_52, %dma_start3A_53] : memref<128x128xf32, #tpu.memory_space<vmem>> -> memref<64x128xf32, #tpu.memory_space<vmem>>
      tpu.enqueue_dma source(%dma_start3A_54 : memref<64x128xf32, #tpu.memory_space<vmem>>) target(%dma_start3A_51 : memref<64x128xf32, #tpu.memory_space<vmem_shared>>) target_semaphore(%run_scoped3A : memref<!tpu.dma_semaphore, #tpu.memory_space<semaphore_mem>>)
      %dma_wait3A = arith.constant 0 : i32
      %dma_wait3A_55 = arith.constant 0 : i32
      %dma_wait3A_56 = tpu.memref_slice %arg9[%dma_wait3A, %dma_wait3A_55] : memref<128x128xf32, #tpu.memory_space<vmem>> -> memref<64x128xf32, #tpu.memory_space<vmem>>
      %dma_wait3A_57 = arith.constant 0 : i32
      %dma_wait3A_58 = tpu.memref_slice %arg12[%add3A_12, %dma_wait3A_57] : memref<1024x128xf32, #tpu.memory_space<vmem_shared>> -> memref<64x128xf32, #tpu.memory_space<vmem_shared>>
      %dma_wait3A_59 = arith.constant 0 : i32
      %dma_wait3A_60 = tpu.memref_slice %arg12[%add3A_12, %dma_wait3A_59] : memref<1024x128xf32, #tpu.memory_space<vmem_shared>> -> memref<64x128xf32, #tpu.memory_space<vmem_shared>>
      %dma_wait3A_61 = arith.constant 0 : i32
      %dma_wait3A_62 = arith.constant 0 : i32
      %dma_wait3A_63 = tpu.memref_slice %arg9[%dma_wait3A_61, %dma_wait3A_62] : memref<128x128xf32, #tpu.memory_space<vmem>> -> memref<64x128xf32, #tpu.memory_space<vmem>>
      tpu.wait_dma2 semaphore(%run_scoped3A : memref<!tpu.dma_semaphore, #tpu.memory_space<semaphore_mem>>) src(%dma_wait3A_63 : memref<64x128xf32, #tpu.memory_space<vmem>>) dst(%dma_wait3A_60 : memref<64x128xf32, #tpu.memory_space<vmem_shared>>)
      tpu.yield
    }) : () -> ()
    %add3A_13 = arith.constant 0 : i32
    %add3A_14 = arith.addi %mul3A_10, %add3A_13 : i32
    "tpu.region"() ({
      %run_scoped3A = tpu.sem_alloc : memref<!tpu.dma_semaphore, #tpu.memory_space<semaphore_mem>>
      %dma_start3A_45 = arith.constant 0 : i32
      %dma_start3A_46 = arith.constant 0 : i32
      %dma_start3A_47 = tpu.memref_slice %arg9[%dma_start3A_45, %dma_start3A_46] : memref<128x128xf32, #tpu.memory_space<vmem>> -> memref<64x128xf32, #tpu.memory_space<vmem>>
      %dma_start3A_48 = arith.constant 0 : i32
      %dma_start3A_49 = tpu.memref_slice %arg13[%add3A_14, %dma_start3A_48] : memref<1024x128xf32, #tpu.memory_space<vmem_shared>> -> memref<64x128xf32, #tpu.memory_space<vmem_shared>>
      %dma_start3A_50 = arith.constant 0 : i32
      %dma_start3A_51 = tpu.memref_slice %arg13[%add3A_14, %dma_start3A_50] : memref<1024x128xf32, #tpu.memory_space<vmem_shared>> -> memref<64x128xf32, #tpu.memory_space<vmem_shared>>
      %dma_start3A_52 = arith.constant 0 : i32
      %dma_start3A_53 = arith.constant 0 : i32
      %dma_start3A_54 = tpu.memref_slice %arg9[%dma_start3A_52, %dma_start3A_53] : memref<128x128xf32, #tpu.memory_space<vmem>> -> memref<64x128xf32, #tpu.memory_space<vmem>>
      tpu.enqueue_dma source(%dma_start3A_54 : memref<64x128xf32, #tpu.memory_space<vmem>>) target(%dma_start3A_51 : memref<64x128xf32, #tpu.memory_space<vmem_shared>>) target_semaphore(%run_scoped3A : memref<!tpu.dma_semaphore, #tpu.memory_space<semaphore_mem>>)
      %dma_wait3A = arith.constant 0 : i32
      %dma_wait3A_55 = arith.constant 0 : i32
      %dma_wait3A_56 = tpu.memref_slice %arg9[%dma_wait3A, %dma_wait3A_55] : memref<128x128xf32, #tpu.memory_space<vmem>> -> memref<64x128xf32, #tpu.memory_space<vmem>>
      %dma_wait3A_57 = arith.constant 0 : i32
      %dma_wait3A_58 = tpu.memref_slice %arg13[%add3A_14, %dma_wait3A_57] : memref<1024x128xf32, #tpu.memory_space<vmem_shared>> -> memref<64x128xf32, #tpu.memory_space<vmem_shared>>
      %dma_wait3A_59 = arith.constant 0 : i32
      %dma_wait3A_60 = tpu.memref_slice %arg13[%add3A_14, %dma_wait3A_59] : memref<1024x128xf32, #tpu.memory_space<vmem_shared>> -> memref<64x128xf32, #tpu.memory_space<vmem_shared>>
      %dma_wait3A_61 = arith.constant 0 : i32
      %dma_wait3A_62 = arith.constant 0 : i32
      %dma_wait3A_63 = tpu.memref_slice %arg9[%dma_wait3A_61, %dma_wait3A_62] : memref<128x128xf32, #tpu.memory_space<vmem>> -> memref<64x128xf32, #tpu.memory_space<vmem>>
      tpu.wait_dma2 semaphore(%run_scoped3A : memref<!tpu.dma_semaphore, #tpu.memory_space<semaphore_mem>>) src(%dma_wait3A_63 : memref<64x128xf32, #tpu.memory_space<vmem>>) dst(%dma_wait3A_60 : memref<64x128xf32, #tpu.memory_space<vmem_shared>>)
      tpu.yield
    }) : () -> ()
    %barrier3A = arith.constant 0 : index
    tpu.barrier barrier_id(%barrier3A)
    %dma_start3A = arith.constant 0 : i32
    %dma_start3A_15 = arith.constant 0 : i32
    %dma_start3A_16 = tpu.memref_slice %arg7[%dma_start3A, %dma_start3A_15] : memref<16x128xi32, #tpu.memory_space<vmem>> -> memref<1x128xi32, #tpu.memory_space<vmem>>
    %dma_start3A_17 = tpu.memref_squeeze %dma_start3A_16 : memref<1x128xi32, #tpu.memory_space<vmem>> -> memref<128xi32, #tpu.memory_space<vmem>>
    %dma_start3A_18 = arith.constant 0 : i32
    %dma_start3A_19 = arith.constant 0 : i32
    %dma_start3A_20 = tpu.memref_slice %arg2[%dma_start3A_18, %dma_start3A_19] : memref<4000x128xf32, #tpu.memory_space<hbm>> -> memref<4000x128xf32, #tpu.memory_space<hbm>>
    tpu.enqueue_indirect_dma source(%dma_start3A_20 : memref<4000x128xf32, #tpu.memory_space<hbm>>) target(%arg10 : memref<128x128xf32, #tpu.memory_space<vmem>>) offsets(%dma_start3A_17 : memref<128xi32, #tpu.memory_space<vmem>>) semaphore(%arg15 : memref<!tpu.dma_semaphore, #tpu.memory_space<semaphore_mem>>)
    %scan3A_21 = arith.constant 0 : i32
    %scan3A_22 = arith.constant 0 : i32
    %scan3A_23 = arith.constant 16 : i32
    %scan3A_24 = arith.addi %scan3A_22, %scan3A_23 : i32
    %scan3A_25 = arith.constant 1 : i32
    scf.for %scan3A_45 = %scan3A_22 to %scan3A_24 step %scan3A_25  : i32 {
      %rem3A_46 = arith.constant 2 : i32
      %rem3A_47 = arith.remsi %scan3A_45, %rem3A_46 : i32
      %eq3A_48 = arith.constant 0 : i32
      %eq3A_49 = arith.cmpi eq, %rem3A_47, %eq3A_48 : i32
      %convert_element_type3A_50 = arith.extui %eq3A_49 : i1 to i32
      %cond3A_51 = arith.constant 0 : i32
      %cond3A_52 = arith.cmpi ne, %convert_element_type3A_50, %cond3A_51 : i32
      scf.if %cond3A_52 {
        %dma_wait3A = arith.constant 0 : i32
        %dma_wait3A_58 = tpu.memref_slice %arg7[%scan3A_45, %dma_wait3A] : memref<16x128xi32, #tpu.memory_space<vmem>> -> memref<1x128xi32, #tpu.memory_space<vmem>>
        %dma_wait3A_59 = tpu.memref_squeeze %dma_wait3A_58 : memref<1x128xi32, #tpu.memory_space<vmem>> -> memref<128xi32, #tpu.memory_space<vmem>>
        %dma_wait3A_60 = arith.constant 0 : i32
        %dma_wait3A_61 = arith.constant 0 : i32
        %dma_wait3A_62 = tpu.memref_slice %arg2[%dma_wait3A_60, %dma_wait3A_61] : memref<4000x128xf32, #tpu.memory_space<hbm>> -> memref<4000x128xf32, #tpu.memory_space<hbm>>
        tpu.wait_indirect_dma semaphore(%arg15 : memref<!tpu.dma_semaphore, #tpu.memory_space<semaphore_mem>>) src(%dma_wait3A_62 : memref<4000x128xf32, #tpu.memory_space<hbm>>) dst(%arg10 : memref<128x128xf32, #tpu.memory_space<vmem>>)
        %add3A_63 = arith.constant 1 : i32
        %add3A_64 = arith.addi %scan3A_45, %add3A_63 : i32
        %min3A = arith.constant 15 : i32
        %min3A_65 = arith.minsi %add3A_64, %min3A : i32
        %dma_start3A_66 = arith.constant 0 : i32
        %dma_start3A_67 = tpu.memref_slice %arg7[%min3A_65, %dma_start3A_66] : memref<16x128xi32, #tpu.memory_space<vmem>> -> memref<1x128xi32, #tpu.memory_space<vmem>>
        %dma_start3A_68 = tpu.memref_squeeze %dma_start3A_67 : memref<1x128xi32, #tpu.memory_space<vmem>> -> memref<128xi32, #tpu.memory_space<vmem>>
        %dma_start3A_69 = arith.constant 0 : i32
        %dma_start3A_70 = arith.constant 0 : i32
        %dma_start3A_71 = tpu.memref_slice %arg2[%dma_start3A_69, %dma_start3A_70] : memref<4000x128xf32, #tpu.memory_space<hbm>> -> memref<4000x128xf32, #tpu.memory_space<hbm>>
        tpu.enqueue_indirect_dma source(%dma_start3A_71 : memref<4000x128xf32, #tpu.memory_space<hbm>>) target(%arg9 : memref<128x128xf32, #tpu.memory_space<vmem>>) offsets(%dma_start3A_68 : memref<128xi32, #tpu.memory_space<vmem>>) semaphore(%arg14 : memref<!tpu.dma_semaphore, #tpu.memory_space<semaphore_mem>>)
        %dma_start3A_72 = arith.constant 0 : i32
        %dma_start3A_73 = tpu.memref_slice %arg8[%scan3A_45, %dma_start3A_72] : memref<16x128xi32, #tpu.memory_space<vmem>> -> memref<1x128xi32, #tpu.memory_space<vmem>>
        %dma_start3A_74 = tpu.memref_squeeze %dma_start3A_73 : memref<1x128xi32, #tpu.memory_space<vmem>> -> memref<128xi32, #tpu.memory_space<vmem>>
        %dma_start3A_75 = arith.constant 0 : i32
        %dma_start3A_76 = arith.constant 0 : i32
        %dma_start3A_77 = tpu.memref_slice %arg13[%dma_start3A_75, %dma_start3A_76] : memref<1024x128xf32, #tpu.memory_space<vmem_shared>> -> memref<1024x128xf32, #tpu.memory_space<vmem_shared>>
        tpu.enqueue_indirect_dma source(%arg11 : memref<128x128xf32, #tpu.memory_space<vmem>>) target(%dma_start3A_77 : memref<1024x128xf32, #tpu.memory_space<vmem_shared>>) offsets(%dma_start3A_74 : memref<128xi32, #tpu.memory_space<vmem>>) semaphore(%arg16 : memref<!tpu.dma_semaphore, #tpu.memory_space<semaphore_mem>>) {add = true}
        "tpu.region"() ({
          %run_scoped3A = tpu.sem_alloc : memref<!tpu.dma_semaphore, #tpu.memory_space<semaphore_mem>>
          %dma_start3A_84 = arith.constant 0 : i32
          %dma_start3A_85 = tpu.memref_slice %arg8[%scan3A_45, %dma_start3A_84] : memref<16x128xi32, #tpu.memory_space<vmem>> -> memref<1x128xi32, #tpu.memory_space<vmem>>
          %dma_start3A_86 = tpu.memref_squeeze %dma_start3A_85 : memref<1x128xi32, #tpu.memory_space<vmem>> -> memref<128xi32, #tpu.memory_space<vmem>>
          %dma_start3A_87 = arith.constant 0 : i32
          %dma_start3A_88 = arith.constant 0 : i32
          %dma_start3A_89 = tpu.memref_slice %arg12[%dma_start3A_87, %dma_start3A_88] : memref<1024x128xf32, #tpu.memory_space<vmem_shared>> -> memref<1024x128xf32, #tpu.memory_space<vmem_shared>>
          tpu.enqueue_indirect_dma source(%arg10 : memref<128x128xf32, #tpu.memory_space<vmem>>) target(%dma_start3A_89 : memref<1024x128xf32, #tpu.memory_space<vmem_shared>>) offsets(%dma_start3A_86 : memref<128xi32, #tpu.memory_space<vmem>>) semaphore(%run_scoped3A : memref<!tpu.dma_semaphore, #tpu.memory_space<semaphore_mem>>) {add = true}
          %dma_wait3A_90 = arith.constant 0 : i32
          %dma_wait3A_91 = tpu.memref_slice %arg8[%scan3A_45, %dma_wait3A_90] : memref<16x128xi32, #tpu.memory_space<vmem>> -> memref<1x128xi32, #tpu.memory_space<vmem>>
          %dma_wait3A_92 = tpu.memref_squeeze %dma_wait3A_91 : memref<1x128xi32, #tpu.memory_space<vmem>> -> memref<128xi32, #tpu.memory_space<vmem>>
          %dma_wait3A_93 = arith.constant 0 : i32
          %dma_wait3A_94 = arith.constant 0 : i32
          %dma_wait3A_95 = tpu.memref_slice %arg12[%dma_wait3A_93, %dma_wait3A_94] : memref<1024x128xf32, #tpu.memory_space<vmem_shared>> -> memref<1024x128xf32, #tpu.memory_space<vmem_shared>>
          tpu.wait_indirect_dma semaphore(%run_scoped3A : memref<!tpu.dma_semaphore, #tpu.memory_space<semaphore_mem>>) src(%arg10 : memref<128x128xf32, #tpu.memory_space<vmem>>) dst(%dma_wait3A_95 : memref<1024x128xf32, #tpu.memory_space<vmem_shared>>)
          tpu.yield
        }) : () -> ()
        %dma_wait3A_78 = arith.constant 0 : i32
        %dma_wait3A_79 = tpu.memref_slice %arg8[%scan3A_45, %dma_wait3A_78] : memref<16x128xi32, #tpu.memory_space<vmem>> -> memref<1x128xi32, #tpu.memory_space<vmem>>
        %dma_wait3A_80 = tpu.memref_squeeze %dma_wait3A_79 : memref<1x128xi32, #tpu.memory_space<vmem>> -> memref<128xi32, #tpu.memory_space<vmem>>
        %dma_wait3A_81 = arith.constant 0 : i32
        %dma_wait3A_82 = arith.constant 0 : i32
        %dma_wait3A_83 = tpu.memref_slice %arg13[%dma_wait3A_81, %dma_wait3A_82] : memref<1024x128xf32, #tpu.memory_space<vmem_shared>> -> memref<1024x128xf32, #tpu.memory_space<vmem_shared>>
        tpu.wait_indirect_dma semaphore(%arg16 : memref<!tpu.dma_semaphore, #tpu.memory_space<semaphore_mem>>) src(%arg11 : memref<128x128xf32, #tpu.memory_space<vmem>>) dst(%dma_wait3A_83 : memref<1024x128xf32, #tpu.memory_space<vmem_shared>>)
      } else {
      }
      %eq3A_53 = arith.constant 1 : i32
      %eq3A_54 = arith.cmpi eq, %rem3A_47, %eq3A_53 : i32
      %convert_element_type3A_55 = arith.extui %eq3A_54 : i1 to i32
      %cond3A_56 = arith.constant 0 : i32
      %cond3A_57 = arith.cmpi ne, %convert_element_type3A_55, %cond3A_56 : i32
      scf.if %cond3A_57 {
        %dma_wait3A = arith.constant 0 : i32
        %dma_wait3A_58 = tpu.memref_slice %arg7[%scan3A_45, %dma_wait3A] : memref<16x128xi32, #tpu.memory_space<vmem>> -> memref<1x128xi32, #tpu.memory_space<vmem>>
        %dma_wait3A_59 = tpu.memref_squeeze %dma_wait3A_58 : memref<1x128xi32, #tpu.memory_space<vmem>> -> memref<128xi32, #tpu.memory_space<vmem>>
        %dma_wait3A_60 = arith.constant 0 : i32
        %dma_wait3A_61 = arith.constant 0 : i32
        %dma_wait3A_62 = tpu.memref_slice %arg2[%dma_wait3A_60, %dma_wait3A_61] : memref<4000x128xf32, #tpu.memory_space<hbm>> -> memref<4000x128xf32, #tpu.memory_space<hbm>>
        tpu.wait_indirect_dma semaphore(%arg14 : memref<!tpu.dma_semaphore, #tpu.memory_space<semaphore_mem>>) src(%dma_wait3A_62 : memref<4000x128xf32, #tpu.memory_space<hbm>>) dst(%arg9 : memref<128x128xf32, #tpu.memory_space<vmem>>)
        %add3A_63 = arith.constant 1 : i32
        %add3A_64 = arith.addi %scan3A_45, %add3A_63 : i32
        %min3A = arith.constant 15 : i32
        %min3A_65 = arith.minsi %add3A_64, %min3A : i32
        %dma_start3A_66 = arith.constant 0 : i32
        %dma_start3A_67 = tpu.memref_slice %arg7[%min3A_65, %dma_start3A_66] : memref<16x128xi32, #tpu.memory_space<vmem>> -> memref<1x128xi32, #tpu.memory_space<vmem>>
        %dma_start3A_68 = tpu.memref_squeeze %dma_start3A_67 : memref<1x128xi32, #tpu.memory_space<vmem>> -> memref<128xi32, #tpu.memory_space<vmem>>
        %dma_start3A_69 = arith.constant 0 : i32
        %dma_start3A_70 = arith.constant 0 : i32
        %dma_start3A_71 = tpu.memref_slice %arg2[%dma_start3A_69, %dma_start3A_70] : memref<4000x128xf32, #tpu.memory_space<hbm>> -> memref<4000x128xf32, #tpu.memory_space<hbm>>
        tpu.enqueue_indirect_dma source(%dma_start3A_71 : memref<4000x128xf32, #tpu.memory_space<hbm>>) target(%arg10 : memref<128x128xf32, #tpu.memory_space<vmem>>) offsets(%dma_start3A_68 : memref<128xi32, #tpu.memory_space<vmem>>) semaphore(%arg15 : memref<!tpu.dma_semaphore, #tpu.memory_space<semaphore_mem>>)
        %dma_start3A_72 = arith.constant 0 : i32
        %dma_start3A_73 = tpu.memref_slice %arg8[%scan3A_45, %dma_start3A_72] : memref<16x128xi32, #tpu.memory_space<vmem>> -> memref<1x128xi32, #tpu.memory_space<vmem>>
        %dma_start3A_74 = tpu.memref_squeeze %dma_start3A_73 : memref<1x128xi32, #tpu.memory_space<vmem>> -> memref<128xi32, #tpu.memory_space<vmem>>
        %dma_start3A_75 = arith.constant 0 : i32
        %dma_start3A_76 = arith.constant 0 : i32
        %dma_start3A_77 = tpu.memref_slice %arg13[%dma_start3A_75, %dma_start3A_76] : memref<1024x128xf32, #tpu.memory_space<vmem_shared>> -> memref<1024x128xf32, #tpu.memory_space<vmem_shared>>
        tpu.enqueue_indirect_dma source(%arg11 : memref<128x128xf32, #tpu.memory_space<vmem>>) target(%dma_start3A_77 : memref<1024x128xf32, #tpu.memory_space<vmem_shared>>) offsets(%dma_start3A_74 : memref<128xi32, #tpu.memory_space<vmem>>) semaphore(%arg16 : memref<!tpu.dma_semaphore, #tpu.memory_space<semaphore_mem>>) {add = true}
        "tpu.region"() ({
          %run_scoped3A = tpu.sem_alloc : memref<!tpu.dma_semaphore, #tpu.memory_space<semaphore_mem>>
          %dma_start3A_84 = arith.constant 0 : i32
          %dma_start3A_85 = tpu.memref_slice %arg8[%scan3A_45, %dma_start3A_84] : memref<16x128xi32, #tpu.memory_space<vmem>> -> memref<1x128xi32, #tpu.memory_space<vmem>>
          %dma_start3A_86 = tpu.memref_squeeze %dma_start3A_85 : memref<1x128xi32, #tpu.memory_space<vmem>> -> memref<128xi32, #tpu.memory_space<vmem>>
          %dma_start3A_87 = arith.constant 0 : i32
          %dma_start3A_88 = arith.constant 0 : i32
          %dma_start3A_89 = tpu.memref_slice %arg12[%dma_start3A_87, %dma_start3A_88] : memref<1024x128xf32, #tpu.memory_space<vmem_shared>> -> memref<1024x128xf32, #tpu.memory_space<vmem_shared>>
          tpu.enqueue_indirect_dma source(%arg9 : memref<128x128xf32, #tpu.memory_space<vmem>>) target(%dma_start3A_89 : memref<1024x128xf32, #tpu.memory_space<vmem_shared>>) offsets(%dma_start3A_86 : memref<128xi32, #tpu.memory_space<vmem>>) semaphore(%run_scoped3A : memref<!tpu.dma_semaphore, #tpu.memory_space<semaphore_mem>>) {add = true}
          %dma_wait3A_90 = arith.constant 0 : i32
          %dma_wait3A_91 = tpu.memref_slice %arg8[%scan3A_45, %dma_wait3A_90] : memref<16x128xi32, #tpu.memory_space<vmem>> -> memref<1x128xi32, #tpu.memory_space<vmem>>
          %dma_wait3A_92 = tpu.memref_squeeze %dma_wait3A_91 : memref<1x128xi32, #tpu.memory_space<vmem>> -> memref<128xi32, #tpu.memory_space<vmem>>
          %dma_wait3A_93 = arith.constant 0 : i32
          %dma_wait3A_94 = arith.constant 0 : i32
          %dma_wait3A_95 = tpu.memref_slice %arg12[%dma_wait3A_93, %dma_wait3A_94] : memref<1024x128xf32, #tpu.memory_space<vmem_shared>> -> memref<1024x128xf32, #tpu.memory_space<vmem_shared>>
          tpu.wait_indirect_dma semaphore(%run_scoped3A : memref<!tpu.dma_semaphore, #tpu.memory_space<semaphore_mem>>) src(%arg9 : memref<128x128xf32, #tpu.memory_space<vmem>>) dst(%dma_wait3A_95 : memref<1024x128xf32, #tpu.memory_space<vmem_shared>>)
          tpu.yield
        }) : () -> ()
        %dma_wait3A_78 = arith.constant 0 : i32
        %dma_wait3A_79 = tpu.memref_slice %arg8[%scan3A_45, %dma_wait3A_78] : memref<16x128xi32, #tpu.memory_space<vmem>> -> memref<1x128xi32, #tpu.memory_space<vmem>>
        %dma_wait3A_80 = tpu.memref_squeeze %dma_wait3A_79 : memref<1x128xi32, #tpu.memory_space<vmem>> -> memref<128xi32, #tpu.memory_space<vmem>>
        %dma_wait3A_81 = arith.constant 0 : i32
        %dma_wait3A_82 = arith.constant 0 : i32
        %dma_wait3A_83 = tpu.memref_slice %arg13[%dma_wait3A_81, %dma_wait3A_82] : memref<1024x128xf32, #tpu.memory_space<vmem_shared>> -> memref<1024x128xf32, #tpu.memory_space<vmem_shared>>
        tpu.wait_indirect_dma semaphore(%arg16 : memref<!tpu.dma_semaphore, #tpu.memory_space<semaphore_mem>>) src(%arg11 : memref<128x128xf32, #tpu.memory_space<vmem>>) dst(%dma_wait3A_83 : memref<1024x128xf32, #tpu.memory_space<vmem_shared>>)
      } else {
      }
    }
    %scan3A_26 = arith.constant 16 : i32
    %rem3A = arith.constant 16 : i32
    %rem3A_27 = arith.constant 2 : i32
    %rem3A_28 = arith.remsi %rem3A, %rem3A_27 : i32
    %eq3A = arith.constant 0 : i32
    %eq3A_29 = arith.cmpi eq, %rem3A_28, %eq3A : i32
    %convert_element_type3A = arith.extui %eq3A_29 : i1 to i32
    %cond3A = arith.constant 0 : i32
    %cond3A_30 = arith.cmpi ne, %convert_element_type3A, %cond3A : i32
    scf.if %cond3A_30 {
      %dma_wait3A = arith.constant 15 : i32
      %dma_wait3A_45 = arith.constant 0 : i32
      %dma_wait3A_46 = tpu.memref_slice %arg7[%dma_wait3A, %dma_wait3A_45] : memref<16x128xi32, #tpu.memory_space<vmem>> -> memref<1x128xi32, #tpu.memory_space<vmem>>
      %dma_wait3A_47 = tpu.memref_squeeze %dma_wait3A_46 : memref<1x128xi32, #tpu.memory_space<vmem>> -> memref<128xi32, #tpu.memory_space<vmem>>
      %dma_wait3A_48 = arith.constant 0 : i32
      %dma_wait3A_49 = arith.constant 0 : i32
      %dma_wait3A_50 = tpu.memref_slice %arg2[%dma_wait3A_48, %dma_wait3A_49] : memref<4000x128xf32, #tpu.memory_space<hbm>> -> memref<4000x128xf32, #tpu.memory_space<hbm>>
      tpu.wait_indirect_dma semaphore(%arg15 : memref<!tpu.dma_semaphore, #tpu.memory_space<semaphore_mem>>) src(%dma_wait3A_50 : memref<4000x128xf32, #tpu.memory_space<hbm>>) dst(%arg10 : memref<128x128xf32, #tpu.memory_space<vmem>>)
    } else {
    }
    %eq3A_31 = arith.constant 1 : i32
    %eq3A_32 = arith.cmpi eq, %rem3A_28, %eq3A_31 : i32
    %convert_element_type3A_33 = arith.extui %eq3A_32 : i1 to i32
    %cond3A_34 = arith.constant 0 : i32
    %cond3A_35 = arith.cmpi ne, %convert_element_type3A_33, %cond3A_34 : i32
    scf.if %cond3A_35 {
      %dma_wait3A = arith.constant 15 : i32
      %dma_wait3A_45 = arith.constant 0 : i32
      %dma_wait3A_46 = tpu.memref_slice %arg7[%dma_wait3A, %dma_wait3A_45] : memref<16x128xi32, #tpu.memory_space<vmem>> -> memref<1x128xi32, #tpu.memory_space<vmem>>
      %dma_wait3A_47 = tpu.memref_squeeze %dma_wait3A_46 : memref<1x128xi32, #tpu.memory_space<vmem>> -> memref<128xi32, #tpu.memory_space<vmem>>
      %dma_wait3A_48 = arith.constant 0 : i32
      %dma_wait3A_49 = arith.constant 0 : i32
      %dma_wait3A_50 = tpu.memref_slice %arg2[%dma_wait3A_48, %dma_wait3A_49] : memref<4000x128xf32, #tpu.memory_space<hbm>> -> memref<4000x128xf32, #tpu.memory_space<hbm>>
      tpu.wait_indirect_dma semaphore(%arg14 : memref<!tpu.dma_semaphore, #tpu.memory_space<semaphore_mem>>) src(%dma_wait3A_50 : memref<4000x128xf32, #tpu.memory_space<hbm>>) dst(%arg9 : memref<128x128xf32, #tpu.memory_space<vmem>>)
    } else {
    }
    %barrier3A_36 = arith.constant 0 : index
    tpu.barrier barrier_id(%barrier3A_36)
    %add3A_37 = arith.constant 0 : i32
    %add3A_38 = arith.addi %mul3A_10, %add3A_37 : i32
    "tpu.region"() ({
      %run_scoped3A = tpu.sem_alloc : memref<!tpu.dma_semaphore, #tpu.memory_space<semaphore_mem>>
      %dma_start3A_45 = arith.constant 0 : i32
      %dma_start3A_46 = arith.constant 0 : i32
      %dma_start3A_47 = tpu.memref_slice %arg9[%dma_start3A_45, %dma_start3A_46] : memref<128x128xf32, #tpu.memory_space<vmem>> -> memref<64x128xf32, #tpu.memory_space<vmem>>
      %dma_start3A_48 = arith.constant 0 : i32
      %dma_start3A_49 = tpu.memref_slice %arg12[%add3A_38, %dma_start3A_48] : memref<1024x128xf32, #tpu.memory_space<vmem_shared>> -> memref<64x128xf32, #tpu.memory_space<vmem_shared>>
      %dma_start3A_50 = arith.constant 0 : i32
      %dma_start3A_51 = arith.constant 0 : i32
      %dma_start3A_52 = tpu.memref_slice %arg9[%dma_start3A_50, %dma_start3A_51] : memref<128x128xf32, #tpu.memory_space<vmem>> -> memref<64x128xf32, #tpu.memory_space<vmem>>
      %dma_start3A_53 = arith.constant 0 : i32
      %dma_start3A_54 = tpu.memref_slice %arg12[%add3A_38, %dma_start3A_53] : memref<1024x128xf32, #tpu.memory_space<vmem_shared>> -> memref<64x128xf32, #tpu.memory_space<vmem_shared>>
      tpu.enqueue_dma source(%dma_start3A_54 : memref<64x128xf32, #tpu.memory_space<vmem_shared>>) target(%dma_start3A_52 : memref<64x128xf32, #tpu.memory_space<vmem>>) target_semaphore(%run_scoped3A : memref<!tpu.dma_semaphore, #tpu.memory_space<semaphore_mem>>)
      %dma_wait3A = arith.constant 0 : i32
      %dma_wait3A_55 = arith.constant 0 : i32
      %dma_wait3A_56 = tpu.memref_slice %arg9[%dma_wait3A, %dma_wait3A_55] : memref<128x128xf32, #tpu.memory_space<vmem>> -> memref<64x128xf32, #tpu.memory_space<vmem>>
      %dma_wait3A_57 = arith.constant 0 : i32
      %dma_wait3A_58 = tpu.memref_slice %arg12[%add3A_38, %dma_wait3A_57] : memref<1024x128xf32, #tpu.memory_space<vmem_shared>> -> memref<64x128xf32, #tpu.memory_space<vmem_shared>>
      %dma_wait3A_59 = arith.constant 0 : i32
      %dma_wait3A_60 = arith.constant 0 : i32
      %dma_wait3A_61 = tpu.memref_slice %arg9[%dma_wait3A_59, %dma_wait3A_60] : memref<128x128xf32, #tpu.memory_space<vmem>> -> memref<64x128xf32, #tpu.memory_space<vmem>>
      %dma_wait3A_62 = arith.constant 0 : i32
      %dma_wait3A_63 = tpu.memref_slice %arg12[%add3A_38, %dma_wait3A_62] : memref<1024x128xf32, #tpu.memory_space<vmem_shared>> -> memref<64x128xf32, #tpu.memory_space<vmem_shared>>
      tpu.wait_dma2 semaphore(%run_scoped3A : memref<!tpu.dma_semaphore, #tpu.memory_space<semaphore_mem>>) src(%dma_wait3A_63 : memref<64x128xf32, #tpu.memory_space<vmem_shared>>) dst(%dma_wait3A_61 : memref<64x128xf32, #tpu.memory_space<vmem>>)
      tpu.yield
    }) : () -> ()
    %add3A_39 = arith.constant 0 : i32
    %add3A_40 = arith.addi %mul3A_10, %add3A_39 : i32
    "tpu.region"() ({
      %run_scoped3A = tpu.sem_alloc : memref<!tpu.dma_semaphore, #tpu.memory_space<semaphore_mem>>
      %dma_start3A_45 = arith.constant 0 : i32
      %dma_start3A_46 = arith.constant 0 : i32
      %dma_start3A_47 = tpu.memref_slice %arg9[%dma_start3A_45, %dma_start3A_46] : memref<128x128xf32, #tpu.memory_space<vmem>> -> memref<64x128xf32, #tpu.memory_space<vmem>>
      %dma_start3A_48 = arith.constant 0 : i32
      %dma_start3A_49 = tpu.memref_slice %arg5[%arg0, %add3A_40, %dma_start3A_48] : memref<2x1024x128xf32, #tpu.memory_space<hbm>> -> memref<1x64x128xf32, #tpu.memory_space<hbm>>
      %dma_start3A_50 = tpu.memref_squeeze %dma_start3A_49 : memref<1x64x128xf32, #tpu.memory_space<hbm>> -> memref<64x128xf32, #tpu.memory_space<hbm>>
      %dma_start3A_51 = arith.constant 0 : i32
      %dma_start3A_52 = tpu.memref_slice %arg5[%arg0, %add3A_40, %dma_start3A_51] : memref<2x1024x128xf32, #tpu.memory_space<hbm>> -> memref<1x64x128xf32, #tpu.memory_space<hbm>>
      %dma_start3A_53 = tpu.memref_squeeze %dma_start3A_52 : memref<1x64x128xf32, #tpu.memory_space<hbm>> -> memref<64x128xf32, #tpu.memory_space<hbm>>
      %dma_start3A_54 = arith.constant 0 : i32
      %dma_start3A_55 = arith.constant 0 : i32
      %dma_start3A_56 = tpu.memref_slice %arg9[%dma_start3A_54, %dma_start3A_55] : memref<128x128xf32, #tpu.memory_space<vmem>> -> memref<64x128xf32, #tpu.memory_space<vmem>>
      tpu.enqueue_dma source(%dma_start3A_56 : memref<64x128xf32, #tpu.memory_space<vmem>>) target(%dma_start3A_53 : memref<64x128xf32, #tpu.memory_space<hbm>>) target_semaphore(%run_scoped3A : memref<!tpu.dma_semaphore, #tpu.memory_space<semaphore_mem>>)
      %dma_wait3A = arith.constant 0 : i32
      %dma_wait3A_57 = arith.constant 0 : i32
      %dma_wait3A_58 = tpu.memref_slice %arg9[%dma_wait3A, %dma_wait3A_57] : memref<128x128xf32, #tpu.memory_space<vmem>> -> memref<64x128xf32, #tpu.memory_space<vmem>>
      %dma_wait3A_59 = arith.constant 0 : i32
      %dma_wait3A_60 = tpu.memref_slice %arg5[%arg0, %add3A_40, %dma_wait3A_59] : memref<2x1024x128xf32, #tpu.memory_space<hbm>> -> memref<1x64x128xf32, #tpu.memory_space<hbm>>
      %dma_wait3A_61 = tpu.memref_squeeze %dma_wait3A_60 : memref<1x64x128xf32, #tpu.memory_space<hbm>> -> memref<64x128xf32, #tpu.memory_space<hbm>>
      %dma_wait3A_62 = arith.constant 0 : i32
      %dma_wait3A_63 = tpu.memref_slice %arg5[%arg0, %add3A_40, %dma_wait3A_62] : memref<2x1024x128xf32, #tpu.memory_space<hbm>> -> memref<1x64x128xf32, #tpu.memory_space<hbm>>
      %dma_wait3A_64 = tpu.memref_squeeze %dma_wait3A_63 : memref<1x64x128xf32, #tpu.memory_space<hbm>> -> memref<64x128xf32, #tpu.memory_space<hbm>>
      %dma_wait3A_65 = arith.constant 0 : i32
      %dma_wait3A_66 = arith.constant 0 : i32
      %dma_wait3A_67 = tpu.memref_slice %arg9[%dma_wait3A_65, %dma_wait3A_66] : memref<128x128xf32, #tpu.memory_space<vmem>> -> memref<64x128xf32, #tpu.memory_space<vmem>>
      tpu.wait_dma2 semaphore(%run_scoped3A : memref<!tpu.dma_semaphore, #tpu.memory_space<semaphore_mem>>) src(%dma_wait3A_67 : memref<64x128xf32, #tpu.memory_space<vmem>>) dst(%dma_wait3A_64 : memref<64x128xf32, #tpu.memory_space<hbm>>)
      tpu.yield
    }) : () -> ()
    %add3A_41 = arith.constant 0 : i32
    %add3A_42 = arith.addi %mul3A_10, %add3A_41 : i32
    "tpu.region"() ({
      %run_scoped3A = tpu.sem_alloc : memref<!tpu.dma_semaphore, #tpu.memory_space<semaphore_mem>>
      %dma_start3A_45 = arith.constant 0 : i32
      %dma_start3A_46 = arith.constant 0 : i32
      %dma_start3A_47 = tpu.memref_slice %arg11[%dma_start3A_45, %dma_start3A_46] : memref<128x128xf32, #tpu.memory_space<vmem>> -> memref<64x128xf32, #tpu.memory_space<vmem>>
      %dma_start3A_48 = arith.constant 0 : i32
      %dma_start3A_49 = tpu.memref_slice %arg13[%add3A_42, %dma_start3A_48] : memref<1024x128xf32, #tpu.memory_space<vmem_shared>> -> memref<64x128xf32, #tpu.memory_space<vmem_shared>>
      %dma_start3A_50 = arith.constant 0 : i32
      %dma_start3A_51 = arith.constant 0 : i32
      %dma_start3A_52 = tpu.memref_slice %arg11[%dma_start3A_50, %dma_start3A_51] : memref<128x128xf32, #tpu.memory_space<vmem>> -> memref<64x128xf32, #tpu.memory_space<vmem>>
      %dma_start3A_53 = arith.constant 0 : i32
      %dma_start3A_54 = tpu.memref_slice %arg13[%add3A_42, %dma_start3A_53] : memref<1024x128xf32, #tpu.memory_space<vmem_shared>> -> memref<64x128xf32, #tpu.memory_space<vmem_shared>>
      tpu.enqueue_dma source(%dma_start3A_54 : memref<64x128xf32, #tpu.memory_space<vmem_shared>>) target(%dma_start3A_52 : memref<64x128xf32, #tpu.memory_space<vmem>>) target_semaphore(%run_scoped3A : memref<!tpu.dma_semaphore, #tpu.memory_space<semaphore_mem>>)
      %dma_wait3A = arith.constant 0 : i32
      %dma_wait3A_55 = arith.constant 0 : i32
      %dma_wait3A_56 = tpu.memref_slice %arg11[%dma_wait3A, %dma_wait3A_55] : memref<128x128xf32, #tpu.memory_space<vmem>> -> memref<64x128xf32, #tpu.memory_space<vmem>>
      %dma_wait3A_57 = arith.constant 0 : i32
      %dma_wait3A_58 = tpu.memref_slice %arg13[%add3A_42, %dma_wait3A_57] : memref<1024x128xf32, #tpu.memory_space<vmem_shared>> -> memref<64x128xf32, #tpu.memory_space<vmem_shared>>
      %dma_wait3A_59 = arith.constant 0 : i32
      %dma_wait3A_60 = arith.constant 0 : i32
      %dma_wait3A_61 = tpu.memref_slice %arg11[%dma_wait3A_59, %dma_wait3A_60] : memref<128x128xf32, #tpu.memory_space<vmem>> -> memref<64x128xf32, #tpu.memory_space<vmem>>
      %dma_wait3A_62 = arith.constant 0 : i32
      %dma_wait3A_63 = tpu.memref_slice %arg13[%add3A_42, %dma_wait3A_62] : memref<1024x128xf32, #tpu.memory_space<vmem_shared>> -> memref<64x128xf32, #tpu.memory_space<vmem_shared>>
      tpu.wait_dma2 semaphore(%run_scoped3A : memref<!tpu.dma_semaphore, #tpu.memory_space<semaphore_mem>>) src(%dma_wait3A_63 : memref<64x128xf32, #tpu.memory_space<vmem_shared>>) dst(%dma_wait3A_61 : memref<64x128xf32, #tpu.memory_space<vmem>>)
      tpu.yield
    }) : () -> ()
    %add3A_43 = arith.constant 0 : i32
    %add3A_44 = arith.addi %mul3A_10, %add3A_43 : i32
    "tpu.region"() ({
      %run_scoped3A = tpu.sem_alloc : memref<!tpu.dma_semaphore, #tpu.memory_space<semaphore_mem>>
      %dma_start3A_45 = arith.constant 0 : i32
      %dma_start3A_46 = arith.constant 0 : i32
      %dma_start3A_47 = tpu.memref_slice %arg11[%dma_start3A_45, %dma_start3A_46] : memref<128x128xf32, #tpu.memory_space<vmem>> -> memref<64x128xf32, #tpu.memory_space<vmem>>
      %dma_start3A_48 = arith.constant 0 : i32
      %dma_start3A_49 = tpu.memref_slice %arg6[%arg0, %add3A_44, %dma_start3A_48] : memref<2x1024x128xf32, #tpu.memory_space<hbm>> -> memref<1x64x128xf32, #tpu.memory_space<hbm>>
      %dma_start3A_50 = tpu.memref_squeeze %dma_start3A_49 : memref<1x64x128xf32, #tpu.memory_space<hbm>> -> memref<64x128xf32, #tpu.memory_space<hbm>>
      %dma_start3A_51 = arith.constant 0 : i32
      %dma_start3A_52 = tpu.memref_slice %arg6[%arg0, %add3A_44, %dma_start3A_51] : memref<2x1024x128xf32, #tpu.memory_space<hbm>> -> memref<1x64x128xf32, #tpu.memory_space<hbm>>
      %dma_start3A_53 = tpu.memref_squeeze %dma_start3A_52 : memref<1x64x128xf32, #tpu.memory_space<hbm>> -> memref<64x128xf32, #tpu.memory_space<hbm>>
      %dma_start3A_54 = arith.constant 0 : i32
      %dma_start3A_55 = arith.constant 0 : i32
      %dma_start3A_56 = tpu.memref_slice %arg11[%dma_start3A_54, %dma_start3A_55] : memref<128x128xf32, #tpu.memory_space<vmem>> -> memref<64x128xf32, #tpu.memory_space<vmem>>
      tpu.enqueue_dma source(%dma_start3A_56 : memref<64x128xf32, #tpu.memory_space<vmem>>) target(%dma_start3A_53 : memref<64x128xf32, #tpu.memory_space<hbm>>) target_semaphore(%run_scoped3A : memref<!tpu.dma_semaphore, #tpu.memory_space<semaphore_mem>>)
      %dma_wait3A = arith.constant 0 : i32
      %dma_wait3A_57 = arith.constant 0 : i32
      %dma_wait3A_58 = tpu.memref_slice %arg11[%dma_wait3A, %dma_wait3A_57] : memref<128x128xf32, #tpu.memory_space<vmem>> -> memref<64x128xf32, #tpu.memory_space<vmem>>
      %dma_wait3A_59 = arith.constant 0 : i32
      %dma_wait3A_60 = tpu.memref_slice %arg6[%arg0, %add3A_44, %dma_wait3A_59] : memref<2x1024x128xf32, #tpu.memory_space<hbm>> -> memref<1x64x128xf32, #tpu.memory_space<hbm>>
      %dma_wait3A_61 = tpu.memref_squeeze %dma_wait3A_60 : memref<1x64x128xf32, #tpu.memory_space<hbm>> -> memref<64x128xf32, #tpu.memory_space<hbm>>
      %dma_wait3A_62 = arith.constant 0 : i32
      %dma_wait3A_63 = tpu.memref_slice %arg6[%arg0, %add3A_44, %dma_wait3A_62] : memref<2x1024x128xf32, #tpu.memory_space<hbm>> -> memref<1x64x128xf32, #tpu.memory_space<hbm>>
      %dma_wait3A_64 = tpu.memref_squeeze %dma_wait3A_63 : memref<1x64x128xf32, #tpu.memory_space<hbm>> -> memref<64x128xf32, #tpu.memory_space<hbm>>
      %dma_wait3A_65 = arith.constant 0 : i32
      %dma_wait3A_66 = arith.constant 0 : i32
      %dma_wait3A_67 = tpu.memref_slice %arg11[%dma_wait3A_65, %dma_wait3A_66] : memref<128x128xf32, #tpu.memory_space<vmem>> -> memref<64x128xf32, #tpu.memory_space<vmem>>
      tpu.wait_dma2 semaphore(%run_scoped3A : memref<!tpu.dma_semaphore, #tpu.memory_space<semaphore_mem>>) src(%dma_wait3A_67 : memref<64x128xf32, #tpu.memory_space<vmem>>) dst(%dma_wait3A_64 : memref<64x128xf32, #tpu.memory_space<hbm>>)
      tpu.yield
    }) : () -> ()
    return
  }
}

#map = affine_map<(d0, d1) -> (0, 0)>
#map1 = affine_map<(d0, d1) -> (0, 0, 0)>
module attributes {stable_mosaic.version = 14 : i64} {
  func.func @body(%arg0: i32, %arg1: i32, %arg2: memref<10000x128xf32, #tpu.memory_space<hbm>>, %arg3: memref<32x79x128xi32, #tpu.memory_space<hbm>>, %arg4: memref<32x79x128xi32, #tpu.memory_space<hbm>>, %arg5: memref<2x4096x128xf32, #tpu.memory_space<hbm>>, %arg6: memref<2x4096x128xf32, #tpu.memory_space<hbm>>, %arg7: memref<79x128xi32, #tpu.memory_space<vmem>>, %arg8: memref<79x128xi32, #tpu.memory_space<vmem>>, %arg9: memref<128x128xf32, #tpu.memory_space<vmem>>, %arg10: memref<128x128xf32, #tpu.memory_space<vmem>>, %arg11: memref<128x128xf32, #tpu.memory_space<vmem>>, %arg12: memref<4096x128xf32, #tpu.memory_space<vmem_shared>>, %arg13: memref<4096x128xf32, #tpu.memory_space<vmem_shared>>, %arg14: memref<!tpu.dma_semaphore, #tpu.memory_space<semaphore_mem>>, %arg15: memref<!tpu.dma_semaphore, #tpu.memory_space<semaphore_mem>>, %arg16: memref<!tpu.dma_semaphore, #tpu.memory_space<semaphore_mem>>) attributes {dimension_semantics = [#tpu.dimension_semantics<core_parallel>, #tpu.dimension_semantics<subcore_parallel>], iteration_bounds = array<i64: 2, 16>, scalar_prefetch = 0 : i64, scratch_operands = 10 : i64, tpu.core_type = #tpu.core_type<sc_vector_subcore>, window_params = [{transform_indices = #map}, {transform_indices = #map1}, {transform_indices = #map1}, {transform_indices = #map1}, {transform_indices = #map1}]} {
    %mul3A = arith.constant 2 : i32
    %mul3A_0 = arith.muli %arg1, %mul3A : i32
    %add3A = arith.addi %mul3A_0, %arg0 : i32
    %broadcast_in_dim3A = arith.constant 0.000000e+00 : f32
    %broadcast_in_dim3A_1 = vector.broadcast %broadcast_in_dim3A : f32 to vector<16xf32>
    %broadcast_in_dim3A_2 = arith.constant 1.000000e+00 : f32
    %broadcast_in_dim3A_3 = vector.broadcast %broadcast_in_dim3A_2 : f32 to vector<16xf32>
    %scan3A = arith.constant 0 : i32
    %scan3A_4 = arith.constant 0 : i32
    %scan3A_5 = arith.constant 128 : i32
    %scan3A_6 = arith.addi %scan3A_4, %scan3A_5 : i32
    %scan3A_7 = arith.constant 1 : i32
    scf.for %scan3A_42 = %scan3A_4 to %scan3A_6 step %scan3A_7  : i32 {
      %swap3A = arith.index_cast %scan3A_42 : i32 to index
      %swap3A_43 = arith.constant 0 : index
      %swap3A_44 = tpu.vector_load %arg9[%swap3A, %swap3A_43] {strides = array<i32>} : memref<128x128xf32, #tpu.memory_space<vmem>>, vector<1x16xf32>,
      %swap3A_45 = vector.shape_cast %swap3A_44 : vector<1x16xf32> to vector<16xf32>
      %swap3A_46 = vector.shape_cast %broadcast_in_dim3A_1 : vector<16xf32> to vector<1x16xf32>
      tpu.vector_store %arg9[%swap3A, %swap3A_43], %swap3A_46 {strides = array<i32>} : memref<128x128xf32, #tpu.memory_space<vmem>>, vector<1x16xf32>,
      %swap3A_47 = arith.index_cast %scan3A_42 : i32 to index
      %swap3A_48 = arith.constant 0 : index
      %swap3A_49 = tpu.vector_load %arg11[%swap3A_47, %swap3A_48] {strides = array<i32>} : memref<128x128xf32, #tpu.memory_space<vmem>>, vector<1x16xf32>,
      %swap3A_50 = vector.shape_cast %swap3A_49 : vector<1x16xf32> to vector<16xf32>
      %swap3A_51 = vector.shape_cast %broadcast_in_dim3A_3 : vector<16xf32> to vector<1x16xf32>
      tpu.vector_store %arg11[%swap3A_47, %swap3A_48], %swap3A_51 {strides = array<i32>} : memref<128x128xf32, #tpu.memory_space<vmem>>, vector<1x16xf32>,
      %swap3A_52 = arith.index_cast %scan3A_42 : i32 to index
      %swap3A_53 = arith.constant 16 : index
      %swap3A_54 = tpu.vector_load %arg9[%swap3A_52, %swap3A_53] {strides = array<i32>} : memref<128x128xf32, #tpu.memory_space<vmem>>, vector<1x16xf32>,
      %swap3A_55 = vector.shape_cast %swap3A_54 : vector<1x16xf32> to vector<16xf32>
      %swap3A_56 = vector.shape_cast %broadcast_in_dim3A_1 : vector<16xf32> to vector<1x16xf32>
      tpu.vector_store %arg9[%swap3A_52, %swap3A_53], %swap3A_56 {strides = array<i32>} : memref<128x128xf32, #tpu.memory_space<vmem>>, vector<1x16xf32>,
      %swap3A_57 = arith.index_cast %scan3A_42 : i32 to index
      %swap3A_58 = arith.constant 16 : index
      %swap3A_59 = tpu.vector_load %arg11[%swap3A_57, %swap3A_58] {strides = array<i32>} : memref<128x128xf32, #tpu.memory_space<vmem>>, vector<1x16xf32>,
      %swap3A_60 = vector.shape_cast %swap3A_59 : vector<1x16xf32> to vector<16xf32>
      %swap3A_61 = vector.shape_cast %broadcast_in_dim3A_3 : vector<16xf32> to vector<1x16xf32>
      tpu.vector_store %arg11[%swap3A_57, %swap3A_58], %swap3A_61 {strides = array<i32>} : memref<128x128xf32, #tpu.memory_space<vmem>>, vector<1x16xf32>,
      %swap3A_62 = arith.index_cast %scan3A_42 : i32 to index
      %swap3A_63 = arith.constant 32 : index
      %swap3A_64 = tpu.vector_load %arg9[%swap3A_62, %swap3A_63] {strides = array<i32>} : memref<128x128xf32, #tpu.memory_space<vmem>>, vector<1x16xf32>,
      %swap3A_65 = vector.shape_cast %swap3A_64 : vector<1x16xf32> to vector<16xf32>
      %swap3A_66 = vector.shape_cast %broadcast_in_dim3A_1 : vector<16xf32> to vector<1x16xf32>
      tpu.vector_store %arg9[%swap3A_62, %swap3A_63], %swap3A_66 {strides = array<i32>} : memref<128x128xf32, #tpu.memory_space<vmem>>, vector<1x16xf32>,
      %swap3A_67 = arith.index_cast %scan3A_42 : i32 to index
      %swap3A_68 = arith.constant 32 : index
      %swap3A_69 = tpu.vector_load %arg11[%swap3A_67, %swap3A_68] {strides = array<i32>} : memref<128x128xf32, #tpu.memory_space<vmem>>, vector<1x16xf32>,
      %swap3A_70 = vector.shape_cast %swap3A_69 : vector<1x16xf32> to vector<16xf32>
      %swap3A_71 = vector.shape_cast %broadcast_in_dim3A_3 : vector<16xf32> to vector<1x16xf32>
      tpu.vector_store %arg11[%swap3A_67, %swap3A_68], %swap3A_71 {strides = array<i32>} : memref<128x128xf32, #tpu.memory_space<vmem>>, vector<1x16xf32>,
      %swap3A_72 = arith.index_cast %scan3A_42 : i32 to index
      %swap3A_73 = arith.constant 48 : index
      %swap3A_74 = tpu.vector_load %arg9[%swap3A_72, %swap3A_73] {strides = array<i32>} : memref<128x128xf32, #tpu.memory_space<vmem>>, vector<1x16xf32>,
      %swap3A_75 = vector.shape_cast %swap3A_74 : vector<1x16xf32> to vector<16xf32>
      %swap3A_76 = vector.shape_cast %broadcast_in_dim3A_1 : vector<16xf32> to vector<1x16xf32>
      tpu.vector_store %arg9[%swap3A_72, %swap3A_73], %swap3A_76 {strides = array<i32>} : memref<128x128xf32, #tpu.memory_space<vmem>>, vector<1x16xf32>,
      %swap3A_77 = arith.index_cast %scan3A_42 : i32 to index
      %swap3A_78 = arith.constant 48 : index
      %swap3A_79 = tpu.vector_load %arg11[%swap3A_77, %swap3A_78] {strides = array<i32>} : memref<128x128xf32, #tpu.memory_space<vmem>>, vector<1x16xf32>,
      %swap3A_80 = vector.shape_cast %swap3A_79 : vector<1x16xf32> to vector<16xf32>
      %swap3A_81 = vector.shape_cast %broadcast_in_dim3A_3 : vector<16xf32> to vector<1x16xf32>
      tpu.vector_store %arg11[%swap3A_77, %swap3A_78], %swap3A_81 {strides = array<i32>} : memref<128x128xf32, #tpu.memory_space<vmem>>, vector<1x16xf32>,
      %swap3A_82 = arith.index_cast %scan3A_42 : i32 to index
      %swap3A_83 = arith.constant 64 : index
      %swap3A_84 = tpu.vector_load %arg9[%swap3A_82, %swap3A_83] {strides = array<i32>} : memref<128x128xf32, #tpu.memory_space<vmem>>, vector<1x16xf32>,
      %swap3A_85 = vector.shape_cast %swap3A_84 : vector<1x16xf32> to vector<16xf32>
      %swap3A_86 = vector.shape_cast %broadcast_in_dim3A_1 : vector<16xf32> to vector<1x16xf32>
      tpu.vector_store %arg9[%swap3A_82, %swap3A_83], %swap3A_86 {strides = array<i32>} : memref<128x128xf32, #tpu.memory_space<vmem>>, vector<1x16xf32>,
      %swap3A_87 = arith.index_cast %scan3A_42 : i32 to index
      %swap3A_88 = arith.constant 64 : index
      %swap3A_89 = tpu.vector_load %arg11[%swap3A_87, %swap3A_88] {strides = array<i32>} : memref<128x128xf32, #tpu.memory_space<vmem>>, vector<1x16xf32>,
      %swap3A_90 = vector.shape_cast %swap3A_89 : vector<1x16xf32> to vector<16xf32>
      %swap3A_91 = vector.shape_cast %broadcast_in_dim3A_3 : vector<16xf32> to vector<1x16xf32>
      tpu.vector_store %arg11[%swap3A_87, %swap3A_88], %swap3A_91 {strides = array<i32>} : memref<128x128xf32, #tpu.memory_space<vmem>>, vector<1x16xf32>,
      %swap3A_92 = arith.index_cast %scan3A_42 : i32 to index
      %swap3A_93 = arith.constant 80 : index
      %swap3A_94 = tpu.vector_load %arg9[%swap3A_92, %swap3A_93] {strides = array<i32>} : memref<128x128xf32, #tpu.memory_space<vmem>>, vector<1x16xf32>,
      %swap3A_95 = vector.shape_cast %swap3A_94 : vector<1x16xf32> to vector<16xf32>
      %swap3A_96 = vector.shape_cast %broadcast_in_dim3A_1 : vector<16xf32> to vector<1x16xf32>
      tpu.vector_store %arg9[%swap3A_92, %swap3A_93], %swap3A_96 {strides = array<i32>} : memref<128x128xf32, #tpu.memory_space<vmem>>, vector<1x16xf32>,
      %swap3A_97 = arith.index_cast %scan3A_42 : i32 to index
      %swap3A_98 = arith.constant 80 : index
      %swap3A_99 = tpu.vector_load %arg11[%swap3A_97, %swap3A_98] {strides = array<i32>} : memref<128x128xf32, #tpu.memory_space<vmem>>, vector<1x16xf32>,
      %swap3A_100 = vector.shape_cast %swap3A_99 : vector<1x16xf32> to vector<16xf32>
      %swap3A_101 = vector.shape_cast %broadcast_in_dim3A_3 : vector<16xf32> to vector<1x16xf32>
      tpu.vector_store %arg11[%swap3A_97, %swap3A_98], %swap3A_101 {strides = array<i32>} : memref<128x128xf32, #tpu.memory_space<vmem>>, vector<1x16xf32>,
      %swap3A_102 = arith.index_cast %scan3A_42 : i32 to index
      %swap3A_103 = arith.constant 96 : index
      %swap3A_104 = tpu.vector_load %arg9[%swap3A_102, %swap3A_103] {strides = array<i32>} : memref<128x128xf32, #tpu.memory_space<vmem>>, vector<1x16xf32>,
      %swap3A_105 = vector.shape_cast %swap3A_104 : vector<1x16xf32> to vector<16xf32>
      %swap3A_106 = vector.shape_cast %broadcast_in_dim3A_1 : vector<16xf32> to vector<1x16xf32>
      tpu.vector_store %arg9[%swap3A_102, %swap3A_103], %swap3A_106 {strides = array<i32>} : memref<128x128xf32, #tpu.memory_space<vmem>>, vector<1x16xf32>,
      %swap3A_107 = arith.index_cast %scan3A_42 : i32 to index
      %swap3A_108 = arith.constant 96 : index
      %swap3A_109 = tpu.vector_load %arg11[%swap3A_107, %swap3A_108] {strides = array<i32>} : memref<128x128xf32, #tpu.memory_space<vmem>>, vector<1x16xf32>,
      %swap3A_110 = vector.shape_cast %swap3A_109 : vector<1x16xf32> to vector<16xf32>
      %swap3A_111 = vector.shape_cast %broadcast_in_dim3A_3 : vector<16xf32> to vector<1x16xf32>
      tpu.vector_store %arg11[%swap3A_107, %swap3A_108], %swap3A_111 {strides = array<i32>} : memref<128x128xf32, #tpu.memory_space<vmem>>, vector<1x16xf32>,
      %swap3A_112 = arith.index_cast %scan3A_42 : i32 to index
      %swap3A_113 = arith.constant 112 : index
      %swap3A_114 = tpu.vector_load %arg9[%swap3A_112, %swap3A_113] {strides = array<i32>} : memref<128x128xf32, #tpu.memory_space<vmem>>, vector<1x16xf32>,
      %swap3A_115 = vector.shape_cast %swap3A_114 : vector<1x16xf32> to vector<16xf32>
      %swap3A_116 = vector.shape_cast %broadcast_in_dim3A_1 : vector<16xf32> to vector<1x16xf32>
      tpu.vector_store %arg9[%swap3A_112, %swap3A_113], %swap3A_116 {strides = array<i32>} : memref<128x128xf32, #tpu.memory_space<vmem>>, vector<1x16xf32>,
      %swap3A_117 = arith.index_cast %scan3A_42 : i32 to index
      %swap3A_118 = arith.constant 112 : index
      %swap3A_119 = tpu.vector_load %arg11[%swap3A_117, %swap3A_118] {strides = array<i32>} : memref<128x128xf32, #tpu.memory_space<vmem>>, vector<1x16xf32>,
      %swap3A_120 = vector.shape_cast %swap3A_119 : vector<1x16xf32> to vector<16xf32>
      %swap3A_121 = vector.shape_cast %broadcast_in_dim3A_3 : vector<16xf32> to vector<1x16xf32>
      tpu.vector_store %arg11[%swap3A_117, %swap3A_118], %swap3A_121 {strides = array<i32>} : memref<128x128xf32, #tpu.memory_space<vmem>>, vector<1x16xf32>,
    }
    %scan3A_8 = arith.constant 128 : i32
    "tpu.region"() ({
      %run_scoped3A = tpu.sem_alloc : memref<!tpu.dma_semaphore, #tpu.memory_space<semaphore_mem>>
      %dma_start3A = arith.constant 0 : i32
      %dma_start3A_42 = arith.constant 0 : i32
      %dma_start3A_43 = tpu.memref_slice %arg3[%add3A, %dma_start3A, %dma_start3A_42] : memref<32x79x128xi32, #tpu.memory_space<hbm>> -> memref<1x79x128xi32, #tpu.memory_space<hbm>>
      %dma_start3A_44 = tpu.memref_squeeze %dma_start3A_43 : memref<1x79x128xi32, #tpu.memory_space<hbm>> -> memref<79x128xi32, #tpu.memory_space<hbm>>
      %dma_start3A_45 = arith.constant 0 : i32
      %dma_start3A_46 = arith.constant 0 : i32
      %dma_start3A_47 = tpu.memref_slice %arg3[%add3A, %dma_start3A_45, %dma_start3A_46] : memref<32x79x128xi32, #tpu.memory_space<hbm>> -> memref<1x79x128xi32, #tpu.memory_space<hbm>>
      %dma_start3A_48 = tpu.memref_squeeze %dma_start3A_47 : memref<1x79x128xi32, #tpu.memory_space<hbm>> -> memref<79x128xi32, #tpu.memory_space<hbm>>
      tpu.enqueue_dma source(%dma_start3A_48 : memref<79x128xi32, #tpu.memory_space<hbm>>) target(%arg7 : memref<79x128xi32, #tpu.memory_space<vmem>>) target_semaphore(%run_scoped3A : memref<!tpu.dma_semaphore, #tpu.memory_space<semaphore_mem>>)
      %dma_wait3A = arith.constant 0 : i32
      %dma_wait3A_49 = arith.constant 0 : i32
      %dma_wait3A_50 = tpu.memref_slice %arg3[%add3A, %dma_wait3A, %dma_wait3A_49] : memref<32x79x128xi32, #tpu.memory_space<hbm>> -> memref<1x79x128xi32, #tpu.memory_space<hbm>>
      %dma_wait3A_51 = tpu.memref_squeeze %dma_wait3A_50 : memref<1x79x128xi32, #tpu.memory_space<hbm>> -> memref<79x128xi32, #tpu.memory_space<hbm>>
      %dma_wait3A_52 = arith.constant 0 : i32
      %dma_wait3A_53 = arith.constant 0 : i32
      %dma_wait3A_54 = tpu.memref_slice %arg3[%add3A, %dma_wait3A_52, %dma_wait3A_53] : memref<32x79x128xi32, #tpu.memory_space<hbm>> -> memref<1x79x128xi32, #tpu.memory_space<hbm>>
      %dma_wait3A_55 = tpu.memref_squeeze %dma_wait3A_54 : memref<1x79x128xi32, #tpu.memory_space<hbm>> -> memref<79x128xi32, #tpu.memory_space<hbm>>
      tpu.wait_dma2 semaphore(%run_scoped3A : memref<!tpu.dma_semaphore, #tpu.memory_space<semaphore_mem>>) src(%dma_wait3A_55 : memref<79x128xi32, #tpu.memory_space<hbm>>) dst(%arg7 : memref<79x128xi32, #tpu.memory_space<vmem>>)
      tpu.yield
    }) : () -> ()
    "tpu.region"() ({
      %run_scoped3A = tpu.sem_alloc : memref<!tpu.dma_semaphore, #tpu.memory_space<semaphore_mem>>
      %dma_start3A = arith.constant 0 : i32
      %dma_start3A_42 = arith.constant 0 : i32
      %dma_start3A_43 = tpu.memref_slice %arg4[%add3A, %dma_start3A, %dma_start3A_42] : memref<32x79x128xi32, #tpu.memory_space<hbm>> -> memref<1x79x128xi32, #tpu.memory_space<hbm>>
      %dma_start3A_44 = tpu.memref_squeeze %dma_start3A_43 : memref<1x79x128xi32, #tpu.memory_space<hbm>> -> memref<79x128xi32, #tpu.memory_space<hbm>>
      %dma_start3A_45 = arith.constant 0 : i32
      %dma_start3A_46 = arith.constant 0 : i32
      %dma_start3A_47 = tpu.memref_slice %arg4[%add3A, %dma_start3A_45, %dma_start3A_46] : memref<32x79x128xi32, #tpu.memory_space<hbm>> -> memref<1x79x128xi32, #tpu.memory_space<hbm>>
      %dma_start3A_48 = tpu.memref_squeeze %dma_start3A_47 : memref<1x79x128xi32, #tpu.memory_space<hbm>> -> memref<79x128xi32, #tpu.memory_space<hbm>>
      tpu.enqueue_dma source(%dma_start3A_48 : memref<79x128xi32, #tpu.memory_space<hbm>>) target(%arg8 : memref<79x128xi32, #tpu.memory_space<vmem>>) target_semaphore(%run_scoped3A : memref<!tpu.dma_semaphore, #tpu.memory_space<semaphore_mem>>)
      %dma_wait3A = arith.constant 0 : i32
      %dma_wait3A_49 = arith.constant 0 : i32
      %dma_wait3A_50 = tpu.memref_slice %arg4[%add3A, %dma_wait3A, %dma_wait3A_49] : memref<32x79x128xi32, #tpu.memory_space<hbm>> -> memref<1x79x128xi32, #tpu.memory_space<hbm>>
      %dma_wait3A_51 = tpu.memref_squeeze %dma_wait3A_50 : memref<1x79x128xi32, #tpu.memory_space<hbm>> -> memref<79x128xi32, #tpu.memory_space<hbm>>
      %dma_wait3A_52 = arith.constant 0 : i32
      %dma_wait3A_53 = arith.constant 0 : i32
      %dma_wait3A_54 = tpu.memref_slice %arg4[%add3A, %dma_wait3A_52, %dma_wait3A_53] : memref<32x79x128xi32, #tpu.memory_space<hbm>> -> memref<1x79x128xi32, #tpu.memory_space<hbm>>
      %dma_wait3A_55 = tpu.memref_squeeze %dma_wait3A_54 : memref<1x79x128xi32, #tpu.memory_space<hbm>> -> memref<79x128xi32, #tpu.memory_space<hbm>>
      tpu.wait_dma2 semaphore(%run_scoped3A : memref<!tpu.dma_semaphore, #tpu.memory_space<semaphore_mem>>) src(%dma_wait3A_55 : memref<79x128xi32, #tpu.memory_space<hbm>>) dst(%arg8 : memref<79x128xi32, #tpu.memory_space<vmem>>)
      tpu.yield
    }) : () -> ()
    %mul3A_9 = arith.constant 256 : i32
    %mul3A_10 = arith.muli %arg1, %mul3A_9 : i32
    %add3A_11 = arith.constant 0 : i32
    %add3A_12 = arith.addi %mul3A_10, %add3A_11 : i32
    "tpu.region"() ({
      %run_scoped3A = tpu.sem_alloc : memref<!tpu.dma_semaphore, #tpu.memory_space<semaphore_mem>>
      %dma_start3A = arith.constant 0 : i32
      %dma_start3A_42 = arith.constant 0 : i32
      %dma_start3A_43 = tpu.memref_slice %arg9[%dma_start3A, %dma_start3A_42] : memref<128x128xf32, #tpu.memory_space<vmem>> -> memref<128x128xf32, #tpu.memory_space<vmem>>
      %dma_start3A_44 = arith.constant 0 : i32
      %dma_start3A_45 = tpu.memref_slice %arg12[%add3A_12, %dma_start3A_44] : memref<4096x128xf32, #tpu.memory_space<vmem_shared>> -> memref<128x128xf32, #tpu.memory_space<vmem_shared>>
      %dma_start3A_46 = arith.constant 0 : i32
      %dma_start3A_47 = tpu.memref_slice %arg12[%add3A_12, %dma_start3A_46] : memref<4096x128xf32, #tpu.memory_space<vmem_shared>> -> memref<128x128xf32, #tpu.memory_space<vmem_shared>>
      %dma_start3A_48 = arith.constant 0 : i32
      %dma_start3A_49 = arith.constant 0 : i32
      %dma_start3A_50 = tpu.memref_slice %arg9[%dma_start3A_48, %dma_start3A_49] : memref<128x128xf32, #tpu.memory_space<vmem>> -> memref<128x128xf32, #tpu.memory_space<vmem>>
      tpu.enqueue_dma source(%dma_start3A_50 : memref<128x128xf32, #tpu.memory_space<vmem>>) target(%dma_start3A_47 : memref<128x128xf32, #tpu.memory_space<vmem_shared>>) target_semaphore(%run_scoped3A : memref<!tpu.dma_semaphore, #tpu.memory_space<semaphore_mem>>)
      %dma_wait3A = arith.constant 0 : i32
      %dma_wait3A_51 = arith.constant 0 : i32
      %dma_wait3A_52 = tpu.memref_slice %arg9[%dma_wait3A, %dma_wait3A_51] : memref<128x128xf32, #tpu.memory_space<vmem>> -> memref<128x128xf32, #tpu.memory_space<vmem>>
      %dma_wait3A_53 = arith.constant 0 : i32
      %dma_wait3A_54 = tpu.memref_slice %arg12[%add3A_12, %dma_wait3A_53] : memref<4096x128xf32, #tpu.memory_space<vmem_shared>> -> memref<128x128xf32, #tpu.memory_space<vmem_shared>>
      %dma_wait3A_55 = arith.constant 0 : i32
      %dma_wait3A_56 = tpu.memref_slice %arg12[%add3A_12, %dma_wait3A_55] : memref<4096x128xf32, #tpu.memory_space<vmem_shared>> -> memref<128x128xf32, #tpu.memory_space<vmem_shared>>
      %dma_wait3A_57 = arith.constant 0 : i32
      %dma_wait3A_58 = arith.constant 0 : i32
      %dma_wait3A_59 = tpu.memref_slice %arg9[%dma_wait3A_57, %dma_wait3A_58] : memref<128x128xf32, #tpu.memory_space<vmem>> -> memref<128x128xf32, #tpu.memory_space<vmem>>
      tpu.wait_dma2 semaphore(%run_scoped3A : memref<!tpu.dma_semaphore, #tpu.memory_space<semaphore_mem>>) src(%dma_wait3A_59 : memref<128x128xf32, #tpu.memory_space<vmem>>) dst(%dma_wait3A_56 : memref<128x128xf32, #tpu.memory_space<vmem_shared>>)
      tpu.yield
    }) : () -> ()
    %add3A_13 = arith.constant 0 : i32
    %add3A_14 = arith.addi %mul3A_10, %add3A_13 : i32
    "tpu.region"() ({
      %run_scoped3A = tpu.sem_alloc : memref<!tpu.dma_semaphore, #tpu.memory_space<semaphore_mem>>
      %dma_start3A = arith.constant 0 : i32
      %dma_start3A_42 = arith.constant 0 : i32
      %dma_start3A_43 = tpu.memref_slice %arg9[%dma_start3A, %dma_start3A_42] : memref<128x128xf32, #tpu.memory_space<vmem>> -> memref<128x128xf32, #tpu.memory_space<vmem>>
      %dma_start3A_44 = arith.constant 0 : i32
      %dma_start3A_45 = tpu.memref_slice %arg13[%add3A_14, %dma_start3A_44] : memref<4096x128xf32, #tpu.memory_space<vmem_shared>> -> memref<128x128xf32, #tpu.memory_space<vmem_shared>>
      %dma_start3A_46 = arith.constant 0 : i32
      %dma_start3A_47 = tpu.memref_slice %arg13[%add3A_14, %dma_start3A_46] : memref<4096x128xf32, #tpu.memory_space<vmem_shared>> -> memref<128x128xf32, #tpu.memory_space<vmem_shared>>
      %dma_start3A_48 = arith.constant 0 : i32
      %dma_start3A_49 = arith.constant 0 : i32
      %dma_start3A_50 = tpu.memref_slice %arg9[%dma_start3A_48, %dma_start3A_49] : memref<128x128xf32, #tpu.memory_space<vmem>> -> memref<128x128xf32, #tpu.memory_space<vmem>>
      tpu.enqueue_dma source(%dma_start3A_50 : memref<128x128xf32, #tpu.memory_space<vmem>>) target(%dma_start3A_47 : memref<128x128xf32, #tpu.memory_space<vmem_shared>>) target_semaphore(%run_scoped3A : memref<!tpu.dma_semaphore, #tpu.memory_space<semaphore_mem>>)
      %dma_wait3A = arith.constant 0 : i32
      %dma_wait3A_51 = arith.constant 0 : i32
      %dma_wait3A_52 = tpu.memref_slice %arg9[%dma_wait3A, %dma_wait3A_51] : memref<128x128xf32, #tpu.memory_space<vmem>> -> memref<128x128xf32, #tpu.memory_space<vmem>>
      %dma_wait3A_53 = arith.constant 0 : i32
      %dma_wait3A_54 = tpu.memref_slice %arg13[%add3A_14, %dma_wait3A_53] : memref<4096x128xf32, #tpu.memory_space<vmem_shared>> -> memref<128x128xf32, #tpu.memory_space<vmem_shared>>
      %dma_wait3A_55 = arith.constant 0 : i32
      %dma_wait3A_56 = tpu.memref_slice %arg13[%add3A_14, %dma_wait3A_55] : memref<4096x128xf32, #tpu.memory_space<vmem_shared>> -> memref<128x128xf32, #tpu.memory_space<vmem_shared>>
      %dma_wait3A_57 = arith.constant 0 : i32
      %dma_wait3A_58 = arith.constant 0 : i32
      %dma_wait3A_59 = tpu.memref_slice %arg9[%dma_wait3A_57, %dma_wait3A_58] : memref<128x128xf32, #tpu.memory_space<vmem>> -> memref<128x128xf32, #tpu.memory_space<vmem>>
      tpu.wait_dma2 semaphore(%run_scoped3A : memref<!tpu.dma_semaphore, #tpu.memory_space<semaphore_mem>>) src(%dma_wait3A_59 : memref<128x128xf32, #tpu.memory_space<vmem>>) dst(%dma_wait3A_56 : memref<128x128xf32, #tpu.memory_space<vmem_shared>>)
      tpu.yield
    }) : () -> ()
    %add3A_15 = arith.constant 128 : i32
    %add3A_16 = arith.addi %mul3A_10, %add3A_15 : i32
    "tpu.region"() ({
      %run_scoped3A = tpu.sem_alloc : memref<!tpu.dma_semaphore, #tpu.memory_space<semaphore_mem>>
      %dma_start3A = arith.constant 0 : i32
      %dma_start3A_42 = arith.constant 0 : i32
      %dma_start3A_43 = tpu.memref_slice %arg9[%dma_start3A, %dma_start3A_42] : memref<128x128xf32, #tpu.memory_space<vmem>> -> memref<128x128xf32, #tpu.memory_space<vmem>>
      %dma_start3A_44 = arith.constant 0 : i32
      %dma_start3A_45 = tpu.memref_slice %arg12[%add3A_16, %dma_start3A_44] : memref<4096x128xf32, #tpu.memory_space<vmem_shared>> -> memref<128x128xf32, #tpu.memory_space<vmem_shared>>
      %dma_start3A_46 = arith.constant 0 : i32
      %dma_start3A_47 = tpu.memref_slice %arg12[%add3A_16, %dma_start3A_46] : memref<4096x128xf32, #tpu.memory_space<vmem_shared>> -> memref<128x128xf32, #tpu.memory_space<vmem_shared>>
      %dma_start3A_48 = arith.constant 0 : i32
      %dma_start3A_49 = arith.constant 0 : i32
      %dma_start3A_50 = tpu.memref_slice %arg9[%dma_start3A_48, %dma_start3A_49] : memref<128x128xf32, #tpu.memory_space<vmem>> -> memref<128x128xf32, #tpu.memory_space<vmem>>
      tpu.enqueue_dma source(%dma_start3A_50 : memref<128x128xf32, #tpu.memory_space<vmem>>) target(%dma_start3A_47 : memref<128x128xf32, #tpu.memory_space<vmem_shared>>) target_semaphore(%run_scoped3A : memref<!tpu.dma_semaphore, #tpu.memory_space<semaphore_mem>>)
      %dma_wait3A = arith.constant 0 : i32
      %dma_wait3A_51 = arith.constant 0 : i32
      %dma_wait3A_52 = tpu.memref_slice %arg9[%dma_wait3A, %dma_wait3A_51] : memref<128x128xf32, #tpu.memory_space<vmem>> -> memref<128x128xf32, #tpu.memory_space<vmem>>
      %dma_wait3A_53 = arith.constant 0 : i32
      %dma_wait3A_54 = tpu.memref_slice %arg12[%add3A_16, %dma_wait3A_53] : memref<4096x128xf32, #tpu.memory_space<vmem_shared>> -> memref<128x128xf32, #tpu.memory_space<vmem_shared>>
      %dma_wait3A_55 = arith.constant 0 : i32
      %dma_wait3A_56 = tpu.memref_slice %arg12[%add3A_16, %dma_wait3A_55] : memref<4096x128xf32, #tpu.memory_space<vmem_shared>> -> memref<128x128xf32, #tpu.memory_space<vmem_shared>>
      %dma_wait3A_57 = arith.constant 0 : i32
      %dma_wait3A_58 = arith.constant 0 : i32
      %dma_wait3A_59 = tpu.memref_slice %arg9[%dma_wait3A_57, %dma_wait3A_58] : memref<128x128xf32, #tpu.memory_space<vmem>> -> memref<128x128xf32, #tpu.memory_space<vmem>>
      tpu.wait_dma2 semaphore(%run_scoped3A : memref<!tpu.dma_semaphore, #tpu.memory_space<semaphore_mem>>) src(%dma_wait3A_59 : memref<128x128xf32, #tpu.memory_space<vmem>>) dst(%dma_wait3A_56 : memref<128x128xf32, #tpu.memory_space<vmem_shared>>)
      tpu.yield
    }) : () -> ()
    %add3A_17 = arith.constant 128 : i32
    %add3A_18 = arith.addi %mul3A_10, %add3A_17 : i32
    "tpu.region"() ({
      %run_scoped3A = tpu.sem_alloc : memref<!tpu.dma_semaphore, #tpu.memory_space<semaphore_mem>>
      %dma_start3A = arith.constant 0 : i32
      %dma_start3A_42 = arith.constant 0 : i32
      %dma_start3A_43 = tpu.memref_slice %arg9[%dma_start3A, %dma_start3A_42] : memref<128x128xf32, #tpu.memory_space<vmem>> -> memref<128x128xf32, #tpu.memory_space<vmem>>
      %dma_start3A_44 = arith.constant 0 : i32
      %dma_start3A_45 = tpu.memref_slice %arg13[%add3A_18, %dma_start3A_44] : memref<4096x128xf32, #tpu.memory_space<vmem_shared>> -> memref<128x128xf32, #tpu.memory_space<vmem_shared>>
      %dma_start3A_46 = arith.constant 0 : i32
      %dma_start3A_47 = tpu.memref_slice %arg13[%add3A_18, %dma_start3A_46] : memref<4096x128xf32, #tpu.memory_space<vmem_shared>> -> memref<128x128xf32, #tpu.memory_space<vmem_shared>>
      %dma_start3A_48 = arith.constant 0 : i32
      %dma_start3A_49 = arith.constant 0 : i32
      %dma_start3A_50 = tpu.memref_slice %arg9[%dma_start3A_48, %dma_start3A_49] : memref<128x128xf32, #tpu.memory_space<vmem>> -> memref<128x128xf32, #tpu.memory_space<vmem>>
      tpu.enqueue_dma source(%dma_start3A_50 : memref<128x128xf32, #tpu.memory_space<vmem>>) target(%dma_start3A_47 : memref<128x128xf32, #tpu.memory_space<vmem_shared>>) target_semaphore(%run_scoped3A : memref<!tpu.dma_semaphore, #tpu.memory_space<semaphore_mem>>)
      %dma_wait3A = arith.constant 0 : i32
      %dma_wait3A_51 = arith.constant 0 : i32
      %dma_wait3A_52 = tpu.memref_slice %arg9[%dma_wait3A, %dma_wait3A_51] : memref<128x128xf32, #tpu.memory_space<vmem>> -> memref<128x128xf32, #tpu.memory_space<vmem>>
      %dma_wait3A_53 = arith.constant 0 : i32
      %dma_wait3A_54 = tpu.memref_slice %arg13[%add3A_18, %dma_wait3A_53] : memref<4096x128xf32, #tpu.memory_space<vmem_shared>> -> memref<128x128xf32, #tpu.memory_space<vmem_shared>>
      %dma_wait3A_55 = arith.constant 0 : i32
      %dma_wait3A_56 = tpu.memref_slice %arg13[%add3A_18, %dma_wait3A_55] : memref<4096x128xf32, #tpu.memory_space<vmem_shared>> -> memref<128x128xf32, #tpu.memory_space<vmem_shared>>
      %dma_wait3A_57 = arith.constant 0 : i32
      %dma_wait3A_58 = arith.constant 0 : i32
      %dma_wait3A_59 = tpu.memref_slice %arg9[%dma_wait3A_57, %dma_wait3A_58] : memref<128x128xf32, #tpu.memory_space<vmem>> -> memref<128x128xf32, #tpu.memory_space<vmem>>
      tpu.wait_dma2 semaphore(%run_scoped3A : memref<!tpu.dma_semaphore, #tpu.memory_space<semaphore_mem>>) src(%dma_wait3A_59 : memref<128x128xf32, #tpu.memory_space<vmem>>) dst(%dma_wait3A_56 : memref<128x128xf32, #tpu.memory_space<vmem_shared>>)
      tpu.yield
    }) : () -> ()
    %barrier3A = arith.constant 0 : index
    tpu.barrier barrier_id(%barrier3A)
    %scan3A_19 = arith.constant 0 : i32
    %scan3A_20 = arith.constant 0 : i32
    %scan3A_21 = arith.constant 79 : i32
    %scan3A_22 = arith.addi %scan3A_20, %scan3A_21 : i32
    %scan3A_23 = arith.constant 1 : i32
    scf.for %scan3A_42 = %scan3A_20 to %scan3A_22 step %scan3A_23  : i32 {
      %dma_start3A = arith.constant 0 : i32
      %dma_start3A_43 = tpu.memref_slice %arg7[%scan3A_42, %dma_start3A] : memref<79x128xi32, #tpu.memory_space<vmem>> -> memref<1x128xi32, #tpu.memory_space<vmem>>
      %dma_start3A_44 = tpu.memref_squeeze %dma_start3A_43 : memref<1x128xi32, #tpu.memory_space<vmem>> -> memref<128xi32, #tpu.memory_space<vmem>>
      %dma_start3A_45 = arith.constant 0 : i32
      %dma_start3A_46 = arith.constant 0 : i32
      %dma_start3A_47 = tpu.memref_slice %arg2[%dma_start3A_45, %dma_start3A_46] : memref<10000x128xf32, #tpu.memory_space<hbm>> -> memref<10000x128xf32, #tpu.memory_space<hbm>>
      tpu.enqueue_indirect_dma source(%dma_start3A_47 : memref<10000x128xf32, #tpu.memory_space<hbm>>) target(%arg9 : memref<128x128xf32, #tpu.memory_space<vmem>>) offsets(%dma_start3A_44 : memref<128xi32, #tpu.memory_space<vmem>>) semaphore(%arg14 : memref<!tpu.dma_semaphore, #tpu.memory_space<semaphore_mem>>)
      %dma_wait3A = arith.constant 0 : i32
      %dma_wait3A_48 = tpu.memref_slice %arg7[%scan3A_42, %dma_wait3A] : memref<79x128xi32, #tpu.memory_space<vmem>> -> memref<1x128xi32, #tpu.memory_space<vmem>>
      %dma_wait3A_49 = tpu.memref_squeeze %dma_wait3A_48 : memref<1x128xi32, #tpu.memory_space<vmem>> -> memref<128xi32, #tpu.memory_space<vmem>>
      %dma_wait3A_50 = arith.constant 0 : i32
      %dma_wait3A_51 = arith.constant 0 : i32
      %dma_wait3A_52 = tpu.memref_slice %arg2[%dma_wait3A_50, %dma_wait3A_51] : memref<10000x128xf32, #tpu.memory_space<hbm>> -> memref<10000x128xf32, #tpu.memory_space<hbm>>
      tpu.wait_indirect_dma semaphore(%arg14 : memref<!tpu.dma_semaphore, #tpu.memory_space<semaphore_mem>>) src(%dma_wait3A_52 : memref<10000x128xf32, #tpu.memory_space<hbm>>) dst(%arg9 : memref<128x128xf32, #tpu.memory_space<vmem>>)
      %dma_start3A_53 = arith.constant 0 : i32
      %dma_start3A_54 = tpu.memref_slice %arg8[%scan3A_42, %dma_start3A_53] : memref<79x128xi32, #tpu.memory_space<vmem>> -> memref<1x128xi32, #tpu.memory_space<vmem>>
      %dma_start3A_55 = tpu.memref_squeeze %dma_start3A_54 : memref<1x128xi32, #tpu.memory_space<vmem>> -> memref<128xi32, #tpu.memory_space<vmem>>
      %dma_start3A_56 = arith.constant 0 : i32
      %dma_start3A_57 = arith.constant 0 : i32
      %dma_start3A_58 = tpu.memref_slice %arg13[%dma_start3A_56, %dma_start3A_57] : memref<4096x128xf32, #tpu.memory_space<vmem_shared>> -> memref<4096x128xf32, #tpu.memory_space<vmem_shared>>
      tpu.enqueue_indirect_dma source(%arg11 : memref<128x128xf32, #tpu.memory_space<vmem>>) target(%dma_start3A_58 : memref<4096x128xf32, #tpu.memory_space<vmem_shared>>) offsets(%dma_start3A_55 : memref<128xi32, #tpu.memory_space<vmem>>) semaphore(%arg16 : memref<!tpu.dma_semaphore, #tpu.memory_space<semaphore_mem>>) {add = true}
      "tpu.region"() ({
        %run_scoped3A = tpu.sem_alloc : memref<!tpu.dma_semaphore, #tpu.memory_space<semaphore_mem>>
        %dma_start3A_65 = arith.constant 0 : i32
        %dma_start3A_66 = tpu.memref_slice %arg8[%scan3A_42, %dma_start3A_65] : memref<79x128xi32, #tpu.memory_space<vmem>> -> memref<1x128xi32, #tpu.memory_space<vmem>>
        %dma_start3A_67 = tpu.memref_squeeze %dma_start3A_66 : memref<1x128xi32, #tpu.memory_space<vmem>> -> memref<128xi32, #tpu.memory_space<vmem>>
        %dma_start3A_68 = arith.constant 0 : i32
        %dma_start3A_69 = arith.constant 0 : i32
        %dma_start3A_70 = tpu.memref_slice %arg12[%dma_start3A_68, %dma_start3A_69] : memref<4096x128xf32, #tpu.memory_space<vmem_shared>> -> memref<4096x128xf32, #tpu.memory_space<vmem_shared>>
        tpu.enqueue_indirect_dma source(%arg9 : memref<128x128xf32, #tpu.memory_space<vmem>>) target(%dma_start3A_70 : memref<4096x128xf32, #tpu.memory_space<vmem_shared>>) offsets(%dma_start3A_67 : memref<128xi32, #tpu.memory_space<vmem>>) semaphore(%run_scoped3A : memref<!tpu.dma_semaphore, #tpu.memory_space<semaphore_mem>>) {add = true}
        %dma_wait3A_71 = arith.constant 0 : i32
        %dma_wait3A_72 = tpu.memref_slice %arg8[%scan3A_42, %dma_wait3A_71] : memref<79x128xi32, #tpu.memory_space<vmem>> -> memref<1x128xi32, #tpu.memory_space<vmem>>
        %dma_wait3A_73 = tpu.memref_squeeze %dma_wait3A_72 : memref<1x128xi32, #tpu.memory_space<vmem>> -> memref<128xi32, #tpu.memory_space<vmem>>
        %dma_wait3A_74 = arith.constant 0 : i32
        %dma_wait3A_75 = arith.constant 0 : i32
        %dma_wait3A_76 = tpu.memref_slice %arg12[%dma_wait3A_74, %dma_wait3A_75] : memref<4096x128xf32, #tpu.memory_space<vmem_shared>> -> memref<4096x128xf32, #tpu.memory_space<vmem_shared>>
        tpu.wait_indirect_dma semaphore(%run_scoped3A : memref<!tpu.dma_semaphore, #tpu.memory_space<semaphore_mem>>) src(%arg9 : memref<128x128xf32, #tpu.memory_space<vmem>>) dst(%dma_wait3A_76 : memref<4096x128xf32, #tpu.memory_space<vmem_shared>>)
        tpu.yield
      }) : () -> ()
      %dma_wait3A_59 = arith.constant 0 : i32
      %dma_wait3A_60 = tpu.memref_slice %arg8[%scan3A_42, %dma_wait3A_59] : memref<79x128xi32, #tpu.memory_space<vmem>> -> memref<1x128xi32, #tpu.memory_space<vmem>>
      %dma_wait3A_61 = tpu.memref_squeeze %dma_wait3A_60 : memref<1x128xi32, #tpu.memory_space<vmem>> -> memref<128xi32, #tpu.memory_space<vmem>>
      %dma_wait3A_62 = arith.constant 0 : i32
      %dma_wait3A_63 = arith.constant 0 : i32
      %dma_wait3A_64 = tpu.memref_slice %arg13[%dma_wait3A_62, %dma_wait3A_63] : memref<4096x128xf32, #tpu.memory_space<vmem_shared>> -> memref<4096x128xf32, #tpu.memory_space<vmem_shared>>
      tpu.wait_indirect_dma semaphore(%arg16 : memref<!tpu.dma_semaphore, #tpu.memory_space<semaphore_mem>>) src(%arg11 : memref<128x128xf32, #tpu.memory_space<vmem>>) dst(%dma_wait3A_64 : memref<4096x128xf32, #tpu.memory_space<vmem_shared>>)
    }
    %scan3A_24 = arith.constant 79 : i32
    %barrier3A_25 = arith.constant 0 : index
    tpu.barrier barrier_id(%barrier3A_25)
    %add3A_26 = arith.constant 0 : i32
    %add3A_27 = arith.addi %mul3A_10, %add3A_26 : i32
    "tpu.region"() ({
      %run_scoped3A = tpu.sem_alloc : memref<!tpu.dma_semaphore, #tpu.memory_space<semaphore_mem>>
      %dma_start3A = arith.constant 0 : i32
      %dma_start3A_42 = arith.constant 0 : i32
      %dma_start3A_43 = tpu.memref_slice %arg9[%dma_start3A, %dma_start3A_42] : memref<128x128xf32, #tpu.memory_space<vmem>> -> memref<128x128xf32, #tpu.memory_space<vmem>>
      %dma_start3A_44 = arith.constant 0 : i32
      %dma_start3A_45 = tpu.memref_slice %arg12[%add3A_27, %dma_start3A_44] : memref<4096x128xf32, #tpu.memory_space<vmem_shared>> -> memref<128x128xf32, #tpu.memory_space<vmem_shared>>
      %dma_start3A_46 = arith.constant 0 : i32
      %dma_start3A_47 = arith.constant 0 : i32
      %dma_start3A_48 = tpu.memref_slice %arg9[%dma_start3A_46, %dma_start3A_47] : memref<128x128xf32, #tpu.memory_space<vmem>> -> memref<128x128xf32, #tpu.memory_space<vmem>>
      %dma_start3A_49 = arith.constant 0 : i32
      %dma_start3A_50 = tpu.memref_slice %arg12[%add3A_27, %dma_start3A_49] : memref<4096x128xf32, #tpu.memory_space<vmem_shared>> -> memref<128x128xf32, #tpu.memory_space<vmem_shared>>
      tpu.enqueue_dma source(%dma_start3A_50 : memref<128x128xf32, #tpu.memory_space<vmem_shared>>) target(%dma_start3A_48 : memref<128x128xf32, #tpu.memory_space<vmem>>) target_semaphore(%run_scoped3A : memref<!tpu.dma_semaphore, #tpu.memory_space<semaphore_mem>>)
      %dma_wait3A = arith.constant 0 : i32
      %dma_wait3A_51 = arith.constant 0 : i32
      %dma_wait3A_52 = tpu.memref_slice %arg9[%dma_wait3A, %dma_wait3A_51] : memref<128x128xf32, #tpu.memory_space<vmem>> -> memref<128x128xf32, #tpu.memory_space<vmem>>
      %dma_wait3A_53 = arith.constant 0 : i32
      %dma_wait3A_54 = tpu.memref_slice %arg12[%add3A_27, %dma_wait3A_53] : memref<4096x128xf32, #tpu.memory_space<vmem_shared>> -> memref<128x128xf32, #tpu.memory_space<vmem_shared>>
      %dma_wait3A_55 = arith.constant 0 : i32
      %dma_wait3A_56 = arith.constant 0 : i32
      %dma_wait3A_57 = tpu.memref_slice %arg9[%dma_wait3A_55, %dma_wait3A_56] : memref<128x128xf32, #tpu.memory_space<vmem>> -> memref<128x128xf32, #tpu.memory_space<vmem>>
      %dma_wait3A_58 = arith.constant 0 : i32
      %dma_wait3A_59 = tpu.memref_slice %arg12[%add3A_27, %dma_wait3A_58] : memref<4096x128xf32, #tpu.memory_space<vmem_shared>> -> memref<128x128xf32, #tpu.memory_space<vmem_shared>>
      tpu.wait_dma2 semaphore(%run_scoped3A : memref<!tpu.dma_semaphore, #tpu.memory_space<semaphore_mem>>) src(%dma_wait3A_59 : memref<128x128xf32, #tpu.memory_space<vmem_shared>>) dst(%dma_wait3A_57 : memref<128x128xf32, #tpu.memory_space<vmem>>)
      tpu.yield
    }) : () -> ()
    %add3A_28 = arith.constant 0 : i32
    %add3A_29 = arith.addi %mul3A_10, %add3A_28 : i32
    "tpu.region"() ({
      %run_scoped3A = tpu.sem_alloc : memref<!tpu.dma_semaphore, #tpu.memory_space<semaphore_mem>>
      %dma_start3A = arith.constant 0 : i32
      %dma_start3A_42 = arith.constant 0 : i32
      %dma_start3A_43 = tpu.memref_slice %arg9[%dma_start3A, %dma_start3A_42] : memref<128x128xf32, #tpu.memory_space<vmem>> -> memref<128x128xf32, #tpu.memory_space<vmem>>
      %dma_start3A_44 = arith.constant 0 : i32
      %dma_start3A_45 = tpu.memref_slice %arg5[%arg0, %add3A_29, %dma_start3A_44] : memref<2x4096x128xf32, #tpu.memory_space<hbm>> -> memref<1x128x128xf32, #tpu.memory_space<hbm>>
      %dma_start3A_46 = tpu.memref_squeeze %dma_start3A_45 : memref<1x128x128xf32, #tpu.memory_space<hbm>> -> memref<128x128xf32, #tpu.memory_space<hbm>>
      %dma_start3A_47 = arith.constant 0 : i32
      %dma_start3A_48 = tpu.memref_slice %arg5[%arg0, %add3A_29, %dma_start3A_47] : memref<2x4096x128xf32, #tpu.memory_space<hbm>> -> memref<1x128x128xf32, #tpu.memory_space<hbm>>
      %dma_start3A_49 = tpu.memref_squeeze %dma_start3A_48 : memref<1x128x128xf32, #tpu.memory_space<hbm>> -> memref<128x128xf32, #tpu.memory_space<hbm>>
      %dma_start3A_50 = arith.constant 0 : i32
      %dma_start3A_51 = arith.constant 0 : i32
      %dma_start3A_52 = tpu.memref_slice %arg9[%dma_start3A_50, %dma_start3A_51] : memref<128x128xf32, #tpu.memory_space<vmem>> -> memref<128x128xf32, #tpu.memory_space<vmem>>
      tpu.enqueue_dma source(%dma_start3A_52 : memref<128x128xf32, #tpu.memory_space<vmem>>) target(%dma_start3A_49 : memref<128x128xf32, #tpu.memory_space<hbm>>) target_semaphore(%run_scoped3A : memref<!tpu.dma_semaphore, #tpu.memory_space<semaphore_mem>>)
      %dma_wait3A = arith.constant 0 : i32
      %dma_wait3A_53 = arith.constant 0 : i32
      %dma_wait3A_54 = tpu.memref_slice %arg9[%dma_wait3A, %dma_wait3A_53] : memref<128x128xf32, #tpu.memory_space<vmem>> -> memref<128x128xf32, #tpu.memory_space<vmem>>
      %dma_wait3A_55 = arith.constant 0 : i32
      %dma_wait3A_56 = tpu.memref_slice %arg5[%arg0, %add3A_29, %dma_wait3A_55] : memref<2x4096x128xf32, #tpu.memory_space<hbm>> -> memref<1x128x128xf32, #tpu.memory_space<hbm>>
      %dma_wait3A_57 = tpu.memref_squeeze %dma_wait3A_56 : memref<1x128x128xf32, #tpu.memory_space<hbm>> -> memref<128x128xf32, #tpu.memory_space<hbm>>
      %dma_wait3A_58 = arith.constant 0 : i32
      %dma_wait3A_59 = tpu.memref_slice %arg5[%arg0, %add3A_29, %dma_wait3A_58] : memref<2x4096x128xf32, #tpu.memory_space<hbm>> -> memref<1x128x128xf32, #tpu.memory_space<hbm>>
      %dma_wait3A_60 = tpu.memref_squeeze %dma_wait3A_59 : memref<1x128x128xf32, #tpu.memory_space<hbm>> -> memref<128x128xf32, #tpu.memory_space<hbm>>
      %dma_wait3A_61 = arith.constant 0 : i32
      %dma_wait3A_62 = arith.constant 0 : i32
      %dma_wait3A_63 = tpu.memref_slice %arg9[%dma_wait3A_61, %dma_wait3A_62] : memref<128x128xf32, #tpu.memory_space<vmem>> -> memref<128x128xf32, #tpu.memory_space<vmem>>
      tpu.wait_dma2 semaphore(%run_scoped3A : memref<!tpu.dma_semaphore, #tpu.memory_space<semaphore_mem>>) src(%dma_wait3A_63 : memref<128x128xf32, #tpu.memory_space<vmem>>) dst(%dma_wait3A_60 : memref<128x128xf32, #tpu.memory_space<hbm>>)
      tpu.yield
    }) : () -> ()
    %add3A_30 = arith.constant 0 : i32
    %add3A_31 = arith.addi %mul3A_10, %add3A_30 : i32
    "tpu.region"() ({
      %run_scoped3A = tpu.sem_alloc : memref<!tpu.dma_semaphore, #tpu.memory_space<semaphore_mem>>
      %dma_start3A = arith.constant 0 : i32
      %dma_start3A_42 = arith.constant 0 : i32
      %dma_start3A_43 = tpu.memref_slice %arg11[%dma_start3A, %dma_start3A_42] : memref<128x128xf32, #tpu.memory_space<vmem>> -> memref<128x128xf32, #tpu.memory_space<vmem>>
      %dma_start3A_44 = arith.constant 0 : i32
      %dma_start3A_45 = tpu.memref_slice %arg13[%add3A_31, %dma_start3A_44] : memref<4096x128xf32, #tpu.memory_space<vmem_shared>> -> memref<128x128xf32, #tpu.memory_space<vmem_shared>>
      %dma_start3A_46 = arith.constant 0 : i32
      %dma_start3A_47 = arith.constant 0 : i32
      %dma_start3A_48 = tpu.memref_slice %arg11[%dma_start3A_46, %dma_start3A_47] : memref<128x128xf32, #tpu.memory_space<vmem>> -> memref<128x128xf32, #tpu.memory_space<vmem>>
      %dma_start3A_49 = arith.constant 0 : i32
      %dma_start3A_50 = tpu.memref_slice %arg13[%add3A_31, %dma_start3A_49] : memref<4096x128xf32, #tpu.memory_space<vmem_shared>> -> memref<128x128xf32, #tpu.memory_space<vmem_shared>>
      tpu.enqueue_dma source(%dma_start3A_50 : memref<128x128xf32, #tpu.memory_space<vmem_shared>>) target(%dma_start3A_48 : memref<128x128xf32, #tpu.memory_space<vmem>>) target_semaphore(%run_scoped3A : memref<!tpu.dma_semaphore, #tpu.memory_space<semaphore_mem>>)
      %dma_wait3A = arith.constant 0 : i32
      %dma_wait3A_51 = arith.constant 0 : i32
      %dma_wait3A_52 = tpu.memref_slice %arg11[%dma_wait3A, %dma_wait3A_51] : memref<128x128xf32, #tpu.memory_space<vmem>> -> memref<128x128xf32, #tpu.memory_space<vmem>>
      %dma_wait3A_53 = arith.constant 0 : i32
      %dma_wait3A_54 = tpu.memref_slice %arg13[%add3A_31, %dma_wait3A_53] : memref<4096x128xf32, #tpu.memory_space<vmem_shared>> -> memref<128x128xf32, #tpu.memory_space<vmem_shared>>
      %dma_wait3A_55 = arith.constant 0 : i32
      %dma_wait3A_56 = arith.constant 0 : i32
      %dma_wait3A_57 = tpu.memref_slice %arg11[%dma_wait3A_55, %dma_wait3A_56] : memref<128x128xf32, #tpu.memory_space<vmem>> -> memref<128x128xf32, #tpu.memory_space<vmem>>
      %dma_wait3A_58 = arith.constant 0 : i32
      %dma_wait3A_59 = tpu.memref_slice %arg13[%add3A_31, %dma_wait3A_58] : memref<4096x128xf32, #tpu.memory_space<vmem_shared>> -> memref<128x128xf32, #tpu.memory_space<vmem_shared>>
      tpu.wait_dma2 semaphore(%run_scoped3A : memref<!tpu.dma_semaphore, #tpu.memory_space<semaphore_mem>>) src(%dma_wait3A_59 : memref<128x128xf32, #tpu.memory_space<vmem_shared>>) dst(%dma_wait3A_57 : memref<128x128xf32, #tpu.memory_space<vmem>>)
      tpu.yield
    }) : () -> ()
    %add3A_32 = arith.constant 0 : i32
    %add3A_33 = arith.addi %mul3A_10, %add3A_32 : i32
    "tpu.region"() ({
      %run_scoped3A = tpu.sem_alloc : memref<!tpu.dma_semaphore, #tpu.memory_space<semaphore_mem>>
      %dma_start3A = arith.constant 0 : i32
      %dma_start3A_42 = arith.constant 0 : i32
      %dma_start3A_43 = tpu.memref_slice %arg11[%dma_start3A, %dma_start3A_42] : memref<128x128xf32, #tpu.memory_space<vmem>> -> memref<128x128xf32, #tpu.memory_space<vmem>>
      %dma_start3A_44 = arith.constant 0 : i32
      %dma_start3A_45 = tpu.memref_slice %arg6[%arg0, %add3A_33, %dma_start3A_44] : memref<2x4096x128xf32, #tpu.memory_space<hbm>> -> memref<1x128x128xf32, #tpu.memory_space<hbm>>
      %dma_start3A_46 = tpu.memref_squeeze %dma_start3A_45 : memref<1x128x128xf32, #tpu.memory_space<hbm>> -> memref<128x128xf32, #tpu.memory_space<hbm>>
      %dma_start3A_47 = arith.constant 0 : i32
      %dma_start3A_48 = tpu.memref_slice %arg6[%arg0, %add3A_33, %dma_start3A_47] : memref<2x4096x128xf32, #tpu.memory_space<hbm>> -> memref<1x128x128xf32, #tpu.memory_space<hbm>>
      %dma_start3A_49 = tpu.memref_squeeze %dma_start3A_48 : memref<1x128x128xf32, #tpu.memory_space<hbm>> -> memref<128x128xf32, #tpu.memory_space<hbm>>
      %dma_start3A_50 = arith.constant 0 : i32
      %dma_start3A_51 = arith.constant 0 : i32
      %dma_start3A_52 = tpu.memref_slice %arg11[%dma_start3A_50, %dma_start3A_51] : memref<128x128xf32, #tpu.memory_space<vmem>> -> memref<128x128xf32, #tpu.memory_space<vmem>>
      tpu.enqueue_dma source(%dma_start3A_52 : memref<128x128xf32, #tpu.memory_space<vmem>>) target(%dma_start3A_49 : memref<128x128xf32, #tpu.memory_space<hbm>>) target_semaphore(%run_scoped3A : memref<!tpu.dma_semaphore, #tpu.memory_space<semaphore_mem>>)
      %dma_wait3A = arith.constant 0 : i32
      %dma_wait3A_53 = arith.constant 0 : i32
      %dma_wait3A_54 = tpu.memref_slice %arg11[%dma_wait3A, %dma_wait3A_53] : memref<128x128xf32, #tpu.memory_space<vmem>> -> memref<128x128xf32, #tpu.memory_space<vmem>>
      %dma_wait3A_55 = arith.constant 0 : i32
      %dma_wait3A_56 = tpu.memref_slice %arg6[%arg0, %add3A_33, %dma_wait3A_55] : memref<2x4096x128xf32, #tpu.memory_space<hbm>> -> memref<1x128x128xf32, #tpu.memory_space<hbm>>
      %dma_wait3A_57 = tpu.memref_squeeze %dma_wait3A_56 : memref<1x128x128xf32, #tpu.memory_space<hbm>> -> memref<128x128xf32, #tpu.memory_space<hbm>>
      %dma_wait3A_58 = arith.constant 0 : i32
      %dma_wait3A_59 = tpu.memref_slice %arg6[%arg0, %add3A_33, %dma_wait3A_58] : memref<2x4096x128xf32, #tpu.memory_space<hbm>> -> memref<1x128x128xf32, #tpu.memory_space<hbm>>
      %dma_wait3A_60 = tpu.memref_squeeze %dma_wait3A_59 : memref<1x128x128xf32, #tpu.memory_space<hbm>> -> memref<128x128xf32, #tpu.memory_space<hbm>>
      %dma_wait3A_61 = arith.constant 0 : i32
      %dma_wait3A_62 = arith.constant 0 : i32
      %dma_wait3A_63 = tpu.memref_slice %arg11[%dma_wait3A_61, %dma_wait3A_62] : memref<128x128xf32, #tpu.memory_space<vmem>> -> memref<128x128xf32, #tpu.memory_space<vmem>>
      tpu.wait_dma2 semaphore(%run_scoped3A : memref<!tpu.dma_semaphore, #tpu.memory_space<semaphore_mem>>) src(%dma_wait3A_63 : memref<128x128xf32, #tpu.memory_space<vmem>>) dst(%dma_wait3A_60 : memref<128x128xf32, #tpu.memory_space<hbm>>)
      tpu.yield
    }) : () -> ()
    %add3A_34 = arith.constant 128 : i32
    %add3A_35 = arith.addi %mul3A_10, %add3A_34 : i32
    "tpu.region"() ({
      %run_scoped3A = tpu.sem_alloc : memref<!tpu.dma_semaphore, #tpu.memory_space<semaphore_mem>>
      %dma_start3A = arith.constant 0 : i32
      %dma_start3A_42 = arith.constant 0 : i32
      %dma_start3A_43 = tpu.memref_slice %arg9[%dma_start3A, %dma_start3A_42] : memref<128x128xf32, #tpu.memory_space<vmem>> -> memref<128x128xf32, #tpu.memory_space<vmem>>
      %dma_start3A_44 = arith.constant 0 : i32
      %dma_start3A_45 = tpu.memref_slice %arg12[%add3A_35, %dma_start3A_44] : memref<4096x128xf32, #tpu.memory_space<vmem_shared>> -> memref<128x128xf32, #tpu.memory_space<vmem_shared>>
      %dma_start3A_46 = arith.constant 0 : i32
      %dma_start3A_47 = arith.constant 0 : i32
      %dma_start3A_48 = tpu.memref_slice %arg9[%dma_start3A_46, %dma_start3A_47] : memref<128x128xf32, #tpu.memory_space<vmem>> -> memref<128x128xf32, #tpu.memory_space<vmem>>
      %dma_start3A_49 = arith.constant 0 : i32
      %dma_start3A_50 = tpu.memref_slice %arg12[%add3A_35, %dma_start3A_49] : memref<4096x128xf32, #tpu.memory_space<vmem_shared>> -> memref<128x128xf32, #tpu.memory_space<vmem_shared>>
      tpu.enqueue_dma source(%dma_start3A_50 : memref<128x128xf32, #tpu.memory_space<vmem_shared>>) target(%dma_start3A_48 : memref<128x128xf32, #tpu.memory_space<vmem>>) target_semaphore(%run_scoped3A : memref<!tpu.dma_semaphore, #tpu.memory_space<semaphore_mem>>)
      %dma_wait3A = arith.constant 0 : i32
      %dma_wait3A_51 = arith.constant 0 : i32
      %dma_wait3A_52 = tpu.memref_slice %arg9[%dma_wait3A, %dma_wait3A_51] : memref<128x128xf32, #tpu.memory_space<vmem>> -> memref<128x128xf32, #tpu.memory_space<vmem>>
      %dma_wait3A_53 = arith.constant 0 : i32
      %dma_wait3A_54 = tpu.memref_slice %arg12[%add3A_35, %dma_wait3A_53] : memref<4096x128xf32, #tpu.memory_space<vmem_shared>> -> memref<128x128xf32, #tpu.memory_space<vmem_shared>>
      %dma_wait3A_55 = arith.constant 0 : i32
      %dma_wait3A_56 = arith.constant 0 : i32
      %dma_wait3A_57 = tpu.memref_slice %arg9[%dma_wait3A_55, %dma_wait3A_56] : memref<128x128xf32, #tpu.memory_space<vmem>> -> memref<128x128xf32, #tpu.memory_space<vmem>>
      %dma_wait3A_58 = arith.constant 0 : i32
      %dma_wait3A_59 = tpu.memref_slice %arg12[%add3A_35, %dma_wait3A_58] : memref<4096x128xf32, #tpu.memory_space<vmem_shared>> -> memref<128x128xf32, #tpu.memory_space<vmem_shared>>
      tpu.wait_dma2 semaphore(%run_scoped3A : memref<!tpu.dma_semaphore, #tpu.memory_space<semaphore_mem>>) src(%dma_wait3A_59 : memref<128x128xf32, #tpu.memory_space<vmem_shared>>) dst(%dma_wait3A_57 : memref<128x128xf32, #tpu.memory_space<vmem>>)
      tpu.yield
    }) : () -> ()
    %add3A_36 = arith.constant 128 : i32
    %add3A_37 = arith.addi %mul3A_10, %add3A_36 : i32
    "tpu.region"() ({
      %run_scoped3A = tpu.sem_alloc : memref<!tpu.dma_semaphore, #tpu.memory_space<semaphore_mem>>
      %dma_start3A = arith.constant 0 : i32
      %dma_start3A_42 = arith.constant 0 : i32
      %dma_start3A_43 = tpu.memref_slice %arg9[%dma_start3A, %dma_start3A_42] : memref<128x128xf32, #tpu.memory_space<vmem>> -> memref<128x128xf32, #tpu.memory_space<vmem>>
      %dma_start3A_44 = arith.constant 0 : i32
      %dma_start3A_45 = tpu.memref_slice %arg5[%arg0, %add3A_37, %dma_start3A_44] : memref<2x4096x128xf32, #tpu.memory_space<hbm>> -> memref<1x128x128xf32, #tpu.memory_space<hbm>>
      %dma_start3A_46 = tpu.memref_squeeze %dma_start3A_45 : memref<1x128x128xf32, #tpu.memory_space<hbm>> -> memref<128x128xf32, #tpu.memory_space<hbm>>
      %dma_start3A_47 = arith.constant 0 : i32
      %dma_start3A_48 = tpu.memref_slice %arg5[%arg0, %add3A_37, %dma_start3A_47] : memref<2x4096x128xf32, #tpu.memory_space<hbm>> -> memref<1x128x128xf32, #tpu.memory_space<hbm>>
      %dma_start3A_49 = tpu.memref_squeeze %dma_start3A_48 : memref<1x128x128xf32, #tpu.memory_space<hbm>> -> memref<128x128xf32, #tpu.memory_space<hbm>>
      %dma_start3A_50 = arith.constant 0 : i32
      %dma_start3A_51 = arith.constant 0 : i32
      %dma_start3A_52 = tpu.memref_slice %arg9[%dma_start3A_50, %dma_start3A_51] : memref<128x128xf32, #tpu.memory_space<vmem>> -> memref<128x128xf32, #tpu.memory_space<vmem>>
      tpu.enqueue_dma source(%dma_start3A_52 : memref<128x128xf32, #tpu.memory_space<vmem>>) target(%dma_start3A_49 : memref<128x128xf32, #tpu.memory_space<hbm>>) target_semaphore(%run_scoped3A : memref<!tpu.dma_semaphore, #tpu.memory_space<semaphore_mem>>)
      %dma_wait3A = arith.constant 0 : i32
      %dma_wait3A_53 = arith.constant 0 : i32
      %dma_wait3A_54 = tpu.memref_slice %arg9[%dma_wait3A, %dma_wait3A_53] : memref<128x128xf32, #tpu.memory_space<vmem>> -> memref<128x128xf32, #tpu.memory_space<vmem>>
      %dma_wait3A_55 = arith.constant 0 : i32
      %dma_wait3A_56 = tpu.memref_slice %arg5[%arg0, %add3A_37, %dma_wait3A_55] : memref<2x4096x128xf32, #tpu.memory_space<hbm>> -> memref<1x128x128xf32, #tpu.memory_space<hbm>>
      %dma_wait3A_57 = tpu.memref_squeeze %dma_wait3A_56 : memref<1x128x128xf32, #tpu.memory_space<hbm>> -> memref<128x128xf32, #tpu.memory_space<hbm>>
      %dma_wait3A_58 = arith.constant 0 : i32
      %dma_wait3A_59 = tpu.memref_slice %arg5[%arg0, %add3A_37, %dma_wait3A_58] : memref<2x4096x128xf32, #tpu.memory_space<hbm>> -> memref<1x128x128xf32, #tpu.memory_space<hbm>>
      %dma_wait3A_60 = tpu.memref_squeeze %dma_wait3A_59 : memref<1x128x128xf32, #tpu.memory_space<hbm>> -> memref<128x128xf32, #tpu.memory_space<hbm>>
      %dma_wait3A_61 = arith.constant 0 : i32
      %dma_wait3A_62 = arith.constant 0 : i32
      %dma_wait3A_63 = tpu.memref_slice %arg9[%dma_wait3A_61, %dma_wait3A_62] : memref<128x128xf32, #tpu.memory_space<vmem>> -> memref<128x128xf32, #tpu.memory_space<vmem>>
      tpu.wait_dma2 semaphore(%run_scoped3A : memref<!tpu.dma_semaphore, #tpu.memory_space<semaphore_mem>>) src(%dma_wait3A_63 : memref<128x128xf32, #tpu.memory_space<vmem>>) dst(%dma_wait3A_60 : memref<128x128xf32, #tpu.memory_space<hbm>>)
      tpu.yield
    }) : () -> ()
    %add3A_38 = arith.constant 128 : i32
    %add3A_39 = arith.addi %mul3A_10, %add3A_38 : i32
    "tpu.region"() ({
      %run_scoped3A = tpu.sem_alloc : memref<!tpu.dma_semaphore, #tpu.memory_space<semaphore_mem>>
      %dma_start3A = arith.constant 0 : i32
      %dma_start3A_42 = arith.constant 0 : i32
      %dma_start3A_43 = tpu.memref_slice %arg11[%dma_start3A, %dma_start3A_42] : memref<128x128xf32, #tpu.memory_space<vmem>> -> memref<128x128xf32, #tpu.memory_space<vmem>>
      %dma_start3A_44 = arith.constant 0 : i32
      %dma_start3A_45 = tpu.memref_slice %arg13[%add3A_39, %dma_start3A_44] : memref<4096x128xf32, #tpu.memory_space<vmem_shared>> -> memref<128x128xf32, #tpu.memory_space<vmem_shared>>
      %dma_start3A_46 = arith.constant 0 : i32
      %dma_start3A_47 = arith.constant 0 : i32
      %dma_start3A_48 = tpu.memref_slice %arg11[%dma_start3A_46, %dma_start3A_47] : memref<128x128xf32, #tpu.memory_space<vmem>> -> memref<128x128xf32, #tpu.memory_space<vmem>>
      %dma_start3A_49 = arith.constant 0 : i32
      %dma_start3A_50 = tpu.memref_slice %arg13[%add3A_39, %dma_start3A_49] : memref<4096x128xf32, #tpu.memory_space<vmem_shared>> -> memref<128x128xf32, #tpu.memory_space<vmem_shared>>
      tpu.enqueue_dma source(%dma_start3A_50 : memref<128x128xf32, #tpu.memory_space<vmem_shared>>) target(%dma_start3A_48 : memref<128x128xf32, #tpu.memory_space<vmem>>) target_semaphore(%run_scoped3A : memref<!tpu.dma_semaphore, #tpu.memory_space<semaphore_mem>>)
      %dma_wait3A = arith.constant 0 : i32
      %dma_wait3A_51 = arith.constant 0 : i32
      %dma_wait3A_52 = tpu.memref_slice %arg11[%dma_wait3A, %dma_wait3A_51] : memref<128x128xf32, #tpu.memory_space<vmem>> -> memref<128x128xf32, #tpu.memory_space<vmem>>
      %dma_wait3A_53 = arith.constant 0 : i32
      %dma_wait3A_54 = tpu.memref_slice %arg13[%add3A_39, %dma_wait3A_53] : memref<4096x128xf32, #tpu.memory_space<vmem_shared>> -> memref<128x128xf32, #tpu.memory_space<vmem_shared>>
      %dma_wait3A_55 = arith.constant 0 : i32
      %dma_wait3A_56 = arith.constant 0 : i32
      %dma_wait3A_57 = tpu.memref_slice %arg11[%dma_wait3A_55, %dma_wait3A_56] : memref<128x128xf32, #tpu.memory_space<vmem>> -> memref<128x128xf32, #tpu.memory_space<vmem>>
      %dma_wait3A_58 = arith.constant 0 : i32
      %dma_wait3A_59 = tpu.memref_slice %arg13[%add3A_39, %dma_wait3A_58] : memref<4096x128xf32, #tpu.memory_space<vmem_shared>> -> memref<128x128xf32, #tpu.memory_space<vmem_shared>>
      tpu.wait_dma2 semaphore(%run_scoped3A : memref<!tpu.dma_semaphore, #tpu.memory_space<semaphore_mem>>) src(%dma_wait3A_59 : memref<128x128xf32, #tpu.memory_space<vmem_shared>>) dst(%dma_wait3A_57 : memref<128x128xf32, #tpu.memory_space<vmem>>)
      tpu.yield
    }) : () -> ()
    %add3A_40 = arith.constant 128 : i32
    %add3A_41 = arith.addi %mul3A_10, %add3A_40 : i32
    "tpu.region"() ({
      %run_scoped3A = tpu.sem_alloc : memref<!tpu.dma_semaphore, #tpu.memory_space<semaphore_mem>>
      %dma_start3A = arith.constant 0 : i32
      %dma_start3A_42 = arith.constant 0 : i32
      %dma_start3A_43 = tpu.memref_slice %arg11[%dma_start3A, %dma_start3A_42] : memref<128x128xf32, #tpu.memory_space<vmem>> -> memref<128x128xf32, #tpu.memory_space<vmem>>
      %dma_start3A_44 = arith.constant 0 : i32
      %dma_start3A_45 = tpu.memref_slice %arg6[%arg0, %add3A_41, %dma_start3A_44] : memref<2x4096x128xf32, #tpu.memory_space<hbm>> -> memref<1x128x128xf32, #tpu.memory_space<hbm>>
      %dma_start3A_46 = tpu.memref_squeeze %dma_start3A_45 : memref<1x128x128xf32, #tpu.memory_space<hbm>> -> memref<128x128xf32, #tpu.memory_space<hbm>>
      %dma_start3A_47 = arith.constant 0 : i32
      %dma_start3A_48 = tpu.memref_slice %arg6[%arg0, %add3A_41, %dma_start3A_47] : memref<2x4096x128xf32, #tpu.memory_space<hbm>> -> memref<1x128x128xf32, #tpu.memory_space<hbm>>
      %dma_start3A_49 = tpu.memref_squeeze %dma_start3A_48 : memref<1x128x128xf32, #tpu.memory_space<hbm>> -> memref<128x128xf32, #tpu.memory_space<hbm>>
      %dma_start3A_50 = arith.constant 0 : i32
      %dma_start3A_51 = arith.constant 0 : i32
      %dma_start3A_52 = tpu.memref_slice %arg11[%dma_start3A_50, %dma_start3A_51] : memref<128x128xf32, #tpu.memory_space<vmem>> -> memref<128x128xf32, #tpu.memory_space<vmem>>
      tpu.enqueue_dma source(%dma_start3A_52 : memref<128x128xf32, #tpu.memory_space<vmem>>) target(%dma_start3A_49 : memref<128x128xf32, #tpu.memory_space<hbm>>) target_semaphore(%run_scoped3A : memref<!tpu.dma_semaphore, #tpu.memory_space<semaphore_mem>>)
      %dma_wait3A = arith.constant 0 : i32
      %dma_wait3A_53 = arith.constant 0 : i32
      %dma_wait3A_54 = tpu.memref_slice %arg11[%dma_wait3A, %dma_wait3A_53] : memref<128x128xf32, #tpu.memory_space<vmem>> -> memref<128x128xf32, #tpu.memory_space<vmem>>
      %dma_wait3A_55 = arith.constant 0 : i32
      %dma_wait3A_56 = tpu.memref_slice %arg6[%arg0, %add3A_41, %dma_wait3A_55] : memref<2x4096x128xf32, #tpu.memory_space<hbm>> -> memref<1x128x128xf32, #tpu.memory_space<hbm>>
      %dma_wait3A_57 = tpu.memref_squeeze %dma_wait3A_56 : memref<1x128x128xf32, #tpu.memory_space<hbm>> -> memref<128x128xf32, #tpu.memory_space<hbm>>
      %dma_wait3A_58 = arith.constant 0 : i32
      %dma_wait3A_59 = tpu.memref_slice %arg6[%arg0, %add3A_41, %dma_wait3A_58] : memref<2x4096x128xf32, #tpu.memory_space<hbm>> -> memref<1x128x128xf32, #tpu.memory_space<hbm>>
      %dma_wait3A_60 = tpu.memref_squeeze %dma_wait3A_59 : memref<1x128x128xf32, #tpu.memory_space<hbm>> -> memref<128x128xf32, #tpu.memory_space<hbm>>
      %dma_wait3A_61 = arith.constant 0 : i32
      %dma_wait3A_62 = arith.constant 0 : i32
      %dma_wait3A_63 = tpu.memref_slice %arg11[%dma_wait3A_61, %dma_wait3A_62] : memref<128x128xf32, #tpu.memory_space<vmem>> -> memref<128x128xf32, #tpu.memory_space<vmem>>
      tpu.wait_dma2 semaphore(%run_scoped3A : memref<!tpu.dma_semaphore, #tpu.memory_space<semaphore_mem>>) src(%dma_wait3A_63 : memref<128x128xf32, #tpu.memory_space<vmem>>) dst(%dma_wait3A_60 : memref<128x128xf32, #tpu.memory_space<hbm>>)
      tpu.yield
    }) : () -> ()
    return
  }
}

module attributes {stable_mosaic.version = 14 : i64} {
  func.func @body(%arg0: memref<4000x128xf32, #tpu.memory_space<vmem>>, %arg1: memref<2x4096x128xf32, #tpu.memory_space<vmem>>, %arg2: memref<2x4096x128xf32, #tpu.memory_space<vmem>>, %arg3: memref<128x128xf32, #tpu.memory_space<vmem>>, %arg4: memref<128x128xf32, #tpu.memory_space<vmem>>, %arg5: memref<1x128xf32, #tpu.memory_space<vmem>>, %arg6: memref<1x128xf32, #tpu.memory_space<vmem>>, %arg7: memref<1x128xf32, #tpu.memory_space<vmem>>, %arg8: memref<4000x128xf32, #tpu.memory_space<vmem>>) attributes {dimension_semantics = [], scalar_prefetch = 0 : i64, scratch_operands = 0 : i64, tpu.core_type = #tpu.core_type<tc>} {
    %get3A = arith.constant 0 : index
    %get3A_0 = arith.constant 0 : index
    %get3A_1 = arith.constant 0 : index
    %get3A_2 = vector.load %arg1[%get3A, %get3A_0, %get3A_1] : memref<2x4096x128xf32, #tpu.memory_space<vmem>>, vector<1x4000x128xf32>
    %get3A_3 = vector.shape_cast %get3A_2 : vector<1x4000x128xf32> to vector<4000x128xf32>
    %get3A_4 = arith.constant 1 : index
    %get3A_5 = arith.constant 0 : index
    %get3A_6 = arith.constant 0 : index
    %get3A_7 = vector.load %arg1[%get3A_4, %get3A_5, %get3A_6] : memref<2x4096x128xf32, #tpu.memory_space<vmem>>, vector<1x4000x128xf32>
    %get3A_8 = vector.shape_cast %get3A_7 : vector<1x4000x128xf32> to vector<4000x128xf32>
    %add3A = arith.addf %get3A_3, %get3A_8 : vector<4000x128xf32>
    %get3A_9 = arith.constant 0 : index
    %get3A_10 = arith.constant 0 : index
    %get3A_11 = arith.constant 0 : index
    %get3A_12 = vector.load %arg2[%get3A_9, %get3A_10, %get3A_11] : memref<2x4096x128xf32, #tpu.memory_space<vmem>>, vector<1x4000x1xf32>
    %get3A_13 = vector.shape_cast %get3A_12 : vector<1x4000x1xf32> to vector<4000x1xf32>
    %get3A_14 = arith.constant 1 : index
    %get3A_15 = arith.constant 0 : index
    %get3A_16 = arith.constant 0 : index
    %get3A_17 = vector.load %arg2[%get3A_14, %get3A_15, %get3A_16] : memref<2x4096x128xf32, #tpu.memory_space<vmem>>, vector<1x4000x1xf32>
    %get3A_18 = vector.shape_cast %get3A_17 : vector<1x4000x1xf32> to vector<4000x1xf32>
    %add3A_19 = arith.addf %get3A_13, %get3A_18 : vector<4000x1xf32>
    %max3A = arith.constant 1.000000e+00 : f32
    %max3A_20 = vector.broadcast %max3A : f32 to vector<4000x1xf32>
    %max3A_21 = arith.maximumf %add3A_19, %max3A_20 : vector<4000x1xf32>
    %div3A = vector.broadcast %max3A_21 : vector<4000x1xf32> to vector<4000x128xf32>
    %div3A_22 = arith.divf %add3A, %div3A : vector<4000x128xf32>
    %get3A_23 = arith.constant 0 : index
    %get3A_24 = arith.constant 0 : index
    %get3A_25 = vector.load %arg0[%get3A_23, %get3A_24] : memref<4000x128xf32, #tpu.memory_space<vmem>>, vector<4000x128xf32>
    %get3A_26 = arith.constant 0 : index
    %get3A_27 = arith.constant 0 : index
    %get3A_28 = vector.load %arg3[%get3A_26, %get3A_27] : memref<128x128xf32, #tpu.memory_space<vmem>>, vector<128x128xf32>
    %dot_general3A = arith.constant dense<0.000000e+00> : vector<4000x128xf32>
    %dot_general3A_29 = tpu.matmul %get3A_25, %get3A_28, %dot_general3A {dimension_numbers = #tpu.dot_dimension_numbers<[1], [0], [0], [1], [0, 0, 1, 1], [], []>, transpose_lhs_hint = false} : vector<4000x128xf32>, vector<128x128xf32>, vector<4000x128xf32> -> vector<4000x128xf32>
    %get3A_30 = arith.constant 0 : index
    %get3A_31 = arith.constant 0 : index
    %get3A_32 = vector.load %arg4[%get3A_30, %get3A_31] : memref<128x128xf32, #tpu.memory_space<vmem>>, vector<128x128xf32>
    %dot_general3A_33 = arith.constant dense<0.000000e+00> : vector<4000x128xf32>
    %dot_general3A_34 = tpu.matmul %div3A_22, %get3A_32, %dot_general3A_33 {dimension_numbers = #tpu.dot_dimension_numbers<[1], [0], [0], [1], [0, 0, 1, 1], [], []>, transpose_lhs_hint = false} : vector<4000x128xf32>, vector<128x128xf32>, vector<4000x128xf32> -> vector<4000x128xf32>
    %add3A_35 = arith.addf %dot_general3A_29, %dot_general3A_34 : vector<4000x128xf32>
    %get3A_36 = arith.constant 0 : index
    %get3A_37 = arith.constant 0 : index
    %get3A_38 = vector.load %arg5[%get3A_36, %get3A_37] : memref<1x128xf32, #tpu.memory_space<vmem>>, vector<1x128xf32>
    %add3A_39 = vector.broadcast %get3A_38 : vector<1x128xf32> to vector<4000x128xf32>
    %add3A_40 = arith.addf %add3A_35, %add3A_39 : vector<4000x128xf32>
    %mul3A = arith.mulf %add3A_40, %add3A_40 : vector<4000x128xf32>
    %reduce_sum3A = arith.constant dense<0.000000e+00> : vector<4000xf32>
    %reduce_sum3A_41 = vector.multi_reduction <add>, %mul3A, %reduce_sum3A [1] : vector<4000x128xf32> to vector<4000xf32>
    %broadcast_in_dim3A = vector.shape_cast %reduce_sum3A_41 : vector<4000xf32> to vector<4000x1xf32>
    %sqrt3A = math.sqrt %broadcast_in_dim3A : vector<4000x1xf32>
    %max3A_42 = arith.constant 9.99999996E-13 : f32
    %max3A_43 = vector.broadcast %max3A_42 : f32 to vector<4000x1xf32>
    %max3A_44 = arith.maximumf %sqrt3A, %max3A_43 : vector<4000x1xf32>
    %div3A_45 = vector.broadcast %max3A_44 : vector<4000x1xf32> to vector<4000x128xf32>
    %div3A_46 = arith.divf %add3A_40, %div3A_45 : vector<4000x128xf32>
    %reduce_sum3A_47 = arith.constant dense<0.000000e+00> : vector<128xf32>
    %reduce_sum3A_48 = vector.multi_reduction <add>, %div3A_46, %reduce_sum3A_47 [0] : vector<4000x128xf32> to vector<128xf32>
    %broadcast_in_dim3A_49 = vector.shape_cast %reduce_sum3A_48 : vector<128xf32> to vector<1x128xf32>
    %div3A_50 = arith.constant 4.000000e+03 : f32
    %div3A_51 = vector.broadcast %div3A_50 : f32 to vector<1x128xf32>
    %div3A_52 = arith.divf %broadcast_in_dim3A_49, %div3A_51 : vector<1x128xf32>
    %mul3A_53 = arith.mulf %div3A_46, %div3A_46 : vector<4000x128xf32>
    %reduce_sum3A_54 = arith.constant dense<0.000000e+00> : vector<128xf32>
    %reduce_sum3A_55 = vector.multi_reduction <add>, %mul3A_53, %reduce_sum3A_54 [0] : vector<4000x128xf32> to vector<128xf32>
    %broadcast_in_dim3A_56 = vector.shape_cast %reduce_sum3A_55 : vector<128xf32> to vector<1x128xf32>
    %div3A_57 = arith.constant 4.000000e+03 : f32
    %div3A_58 = vector.broadcast %div3A_57 : f32 to vector<1x128xf32>
    %div3A_59 = arith.divf %broadcast_in_dim3A_56, %div3A_58 : vector<1x128xf32>
    %mul3A_60 = arith.mulf %div3A_52, %div3A_52 : vector<1x128xf32>
    %sub3A = arith.subf %div3A_59, %mul3A_60 : vector<1x128xf32>
    %get3A_61 = arith.constant 0 : index
    %get3A_62 = arith.constant 0 : index
    %get3A_63 = vector.load %arg6[%get3A_61, %get3A_62] : memref<1x128xf32, #tpu.memory_space<vmem>>, vector<1x128xf32>
    %sub3A_64 = vector.broadcast %div3A_52 : vector<1x128xf32> to vector<4000x128xf32>
    %sub3A_65 = arith.subf %div3A_46, %sub3A_64 : vector<4000x128xf32>
    %mul3A_66 = vector.broadcast %get3A_63 : vector<1x128xf32> to vector<4000x128xf32>
    %mul3A_67 = arith.mulf %mul3A_66, %sub3A_65 : vector<4000x128xf32>
    %add3A_68 = arith.constant 9.99999974E-6 : f32
    %add3A_69 = vector.broadcast %add3A_68 : f32 to vector<1x128xf32>
    %add3A_70 = arith.addf %sub3A, %add3A_69 : vector<1x128xf32>
    %rsqrt3A = math.rsqrt %add3A_70 : vector<1x128xf32>
    %mul3A_71 = vector.broadcast %rsqrt3A : vector<1x128xf32> to vector<4000x128xf32>
    %mul3A_72 = arith.mulf %mul3A_67, %mul3A_71 : vector<4000x128xf32>
    %get3A_73 = arith.constant 0 : index
    %get3A_74 = arith.constant 0 : index
    %get3A_75 = vector.load %arg7[%get3A_73, %get3A_74] : memref<1x128xf32, #tpu.memory_space<vmem>>, vector<1x128xf32>
    %add3A_76 = vector.broadcast %get3A_75 : vector<1x128xf32> to vector<4000x128xf32>
    %add3A_77 = arith.addf %mul3A_72, %add3A_76 : vector<4000x128xf32>
    %max3A_78 = arith.constant 0.000000e+00 : f32
    %max3A_79 = vector.broadcast %max3A_78 : f32 to vector<4000x128xf32>
    %max3A_80 = arith.maximumf %add3A_77, %max3A_79 : vector<4000x128xf32>
    %swap3A = arith.constant 0 : index
    %swap3A_81 = arith.constant 0 : index
    %swap3A_82 = vector.load %arg8[%swap3A, %swap3A_81] : memref<4000x128xf32, #tpu.memory_space<vmem>>, vector<4000x128xf32>
    tpu.vector_store %arg8[%swap3A, %swap3A_81], %max3A_80 {strides = array<i32>} : memref<4000x128xf32, #tpu.memory_space<vmem>>, vector<4000x128xf32>,
    return
  }
}

module attributes {stable_mosaic.version = 14 : i64} {
  func.func @body(%arg0: memref<1024x128xf32, #tpu.memory_space<vmem>>, %arg1: memref<2x1024x128xf32, #tpu.memory_space<vmem>>, %arg2: memref<2x1024x128xf32, #tpu.memory_space<vmem>>, %arg3: memref<128x128xf32, #tpu.memory_space<vmem>>, %arg4: memref<128x128xf32, #tpu.memory_space<vmem>>, %arg5: memref<1x128xf32, #tpu.memory_space<vmem>>, %arg6: memref<1x128xf32, #tpu.memory_space<vmem>>, %arg7: memref<1x128xf32, #tpu.memory_space<vmem>>, %arg8: memref<1024x128xf32, #tpu.memory_space<vmem>>) attributes {dimension_semantics = [], scalar_prefetch = 0 : i64, scratch_operands = 0 : i64, tpu.core_type = #tpu.core_type<tc>} {
    %get3A = arith.constant 0 : index
    %get3A_0 = arith.constant 0 : index
    %get3A_1 = arith.constant 0 : index
    %get3A_2 = vector.load %arg1[%get3A, %get3A_0, %get3A_1] : memref<2x1024x128xf32, #tpu.memory_space<vmem>>, vector<1x1024x128xf32>
    %get3A_3 = vector.shape_cast %get3A_2 : vector<1x1024x128xf32> to vector<1024x128xf32>
    %get3A_4 = arith.constant 1 : index
    %get3A_5 = arith.constant 0 : index
    %get3A_6 = arith.constant 0 : index
    %get3A_7 = vector.load %arg1[%get3A_4, %get3A_5, %get3A_6] : memref<2x1024x128xf32, #tpu.memory_space<vmem>>, vector<1x1024x128xf32>
    %get3A_8 = vector.shape_cast %get3A_7 : vector<1x1024x128xf32> to vector<1024x128xf32>
    %add3A = arith.addf %get3A_3, %get3A_8 : vector<1024x128xf32>
    %get3A_9 = arith.constant 0 : index
    %get3A_10 = arith.constant 0 : index
    %get3A_11 = arith.constant 0 : index
    %get3A_12 = vector.load %arg2[%get3A_9, %get3A_10, %get3A_11] : memref<2x1024x128xf32, #tpu.memory_space<vmem>>, vector<1x1024x1xf32>
    %get3A_13 = vector.shape_cast %get3A_12 : vector<1x1024x1xf32> to vector<1024x1xf32>
    %get3A_14 = arith.constant 1 : index
    %get3A_15 = arith.constant 0 : index
    %get3A_16 = arith.constant 0 : index
    %get3A_17 = vector.load %arg2[%get3A_14, %get3A_15, %get3A_16] : memref<2x1024x128xf32, #tpu.memory_space<vmem>>, vector<1x1024x1xf32>
    %get3A_18 = vector.shape_cast %get3A_17 : vector<1x1024x1xf32> to vector<1024x1xf32>
    %add3A_19 = arith.addf %get3A_13, %get3A_18 : vector<1024x1xf32>
    %iota3A = tpu.iota {dimensions = array<i32: 0>} : vector<1024x1xi32>
    %eq3A = arith.constant 0 : i32
    %eq3A_20 = vector.broadcast %eq3A : i32 to vector<1024x1xi32>
    %eq3A_21 = arith.cmpi eq, %iota3A, %eq3A_20 : vector<1024x1xi32>
    %jit3A = arith.constant 1.536000e+03 : f32
    %jit3A_22 = arith.constant 0.000000e+00 : f32
    %broadcast_in_dim3A = vector.broadcast %jit3A : f32 to vector<1024x1xf32>
    %broadcast_in_dim3A_23 = vector.broadcast %jit3A_22 : f32 to vector<1024x1xf32>
    %select_n3A = arith.select %eq3A_21, %broadcast_in_dim3A, %broadcast_in_dim3A_23 : vector<1024x1xi1>, vector<1024x1xf32>
    %get3A_24 = arith.constant 0 : index
    %get3A_25 = arith.constant 0 : index
    %get3A_26 = vector.load %arg0[%get3A_24, %get3A_25] : memref<1024x128xf32, #tpu.memory_space<vmem>>, vector<1x128xf32>
    %mul3A = vector.broadcast %select_n3A : vector<1024x1xf32> to vector<1024x128xf32>
    %mul3A_27 = vector.broadcast %get3A_26 : vector<1x128xf32> to vector<1024x128xf32>
    %mul3A_28 = arith.mulf %mul3A, %mul3A_27 : vector<1024x128xf32>
    %sub3A = arith.subf %add3A, %mul3A_28 : vector<1024x128xf32>
    %sub3A_29 = arith.subf %add3A_19, %select_n3A : vector<1024x1xf32>
    %max3A = arith.constant 1.000000e+00 : f32
    %max3A_30 = vector.broadcast %max3A : f32 to vector<1024x1xf32>
    %max3A_31 = arith.maximumf %sub3A_29, %max3A_30 : vector<1024x1xf32>
    %div3A = vector.broadcast %max3A_31 : vector<1024x1xf32> to vector<1024x128xf32>
    %div3A_32 = arith.divf %sub3A, %div3A : vector<1024x128xf32>
    %get3A_33 = arith.constant 0 : index
    %get3A_34 = arith.constant 0 : index
    %get3A_35 = vector.load %arg0[%get3A_33, %get3A_34] : memref<1024x128xf32, #tpu.memory_space<vmem>>, vector<1024x128xf32>
    %get3A_36 = arith.constant 0 : index
    %get3A_37 = arith.constant 0 : index
    %get3A_38 = vector.load %arg3[%get3A_36, %get3A_37] : memref<128x128xf32, #tpu.memory_space<vmem>>, vector<128x128xf32>
    %dot_general3A = arith.constant dense<0.000000e+00> : vector<1024x128xf32>
    %dot_general3A_39 = tpu.matmul %get3A_35, %get3A_38, %dot_general3A {dimension_numbers = #tpu.dot_dimension_numbers<[1], [0], [0], [1], [0, 0, 1, 1], [], []>, transpose_lhs_hint = false} : vector<1024x128xf32>, vector<128x128xf32>, vector<1024x128xf32> -> vector<1024x128xf32>
    %get3A_40 = arith.constant 0 : index
    %get3A_41 = arith.constant 0 : index
    %get3A_42 = vector.load %arg4[%get3A_40, %get3A_41] : memref<128x128xf32, #tpu.memory_space<vmem>>, vector<128x128xf32>
    %dot_general3A_43 = arith.constant dense<0.000000e+00> : vector<1024x128xf32>
    %dot_general3A_44 = tpu.matmul %div3A_32, %get3A_42, %dot_general3A_43 {dimension_numbers = #tpu.dot_dimension_numbers<[1], [0], [0], [1], [0, 0, 1, 1], [], []>, transpose_lhs_hint = false} : vector<1024x128xf32>, vector<128x128xf32>, vector<1024x128xf32> -> vector<1024x128xf32>
    %add3A_45 = arith.addf %dot_general3A_39, %dot_general3A_44 : vector<1024x128xf32>
    %get3A_46 = arith.constant 0 : index
    %get3A_47 = arith.constant 0 : index
    %get3A_48 = vector.load %arg5[%get3A_46, %get3A_47] : memref<1x128xf32, #tpu.memory_space<vmem>>, vector<1x128xf32>
    %add3A_49 = vector.broadcast %get3A_48 : vector<1x128xf32> to vector<1024x128xf32>
    %add3A_50 = arith.addf %add3A_45, %add3A_49 : vector<1024x128xf32>
    %mul3A_51 = arith.mulf %add3A_50, %add3A_50 : vector<1024x128xf32>
    %reduce_sum3A = arith.constant dense<0.000000e+00> : vector<1024xf32>
    %reduce_sum3A_52 = vector.multi_reduction <add>, %mul3A_51, %reduce_sum3A [1] : vector<1024x128xf32> to vector<1024xf32>
    %broadcast_in_dim3A_53 = vector.shape_cast %reduce_sum3A_52 : vector<1024xf32> to vector<1024x1xf32>
    %sqrt3A = math.sqrt %broadcast_in_dim3A_53 : vector<1024x1xf32>
    %max3A_54 = arith.constant 9.99999996E-13 : f32
    %max3A_55 = vector.broadcast %max3A_54 : f32 to vector<1024x1xf32>
    %max3A_56 = arith.maximumf %sqrt3A, %max3A_55 : vector<1024x1xf32>
    %div3A_57 = vector.broadcast %max3A_56 : vector<1024x1xf32> to vector<1024x128xf32>
    %div3A_58 = arith.divf %add3A_50, %div3A_57 : vector<1024x128xf32>
    %swap3A = arith.constant 0 : index
    %swap3A_59 = arith.constant 0 : index
    %swap3A_60 = vector.load %arg8[%swap3A, %swap3A_59] : memref<1024x128xf32, #tpu.memory_space<vmem>>, vector<1024x128xf32>
    tpu.vector_store %arg8[%swap3A, %swap3A_59], %div3A_58 {strides = array<i32>} : memref<1024x128xf32, #tpu.memory_space<vmem>>, vector<1024x128xf32>,
    return
  }
}

</mosaic_0001>

<sc_bundles>
// kernel: kernel.6.cloned.1.call-start
scs
__scs_entry_jumppad:
0x0: {  	(pc) =	sbr.rel $0x88, $3  }
0x1: {  	(tag) =	ssettag $0x0;
	lr =	simm.s32 $0x1  }
0x2: {  	[smem:$0x3F94] =	sst lr;
	_ =	strace $0xD0000000  }
0x3: {  	_ = 	snop  }
0x4: {  	_ = 	snop  }
0x5: {  	_ = 	snop  }
0x6: {  	_ = 	snop  }
0x7: {  	_ = 	snop  }
__scs_overlays_trampoline_lowered:
0x8: {  	[smem:$0x3FA3] =	sst s0  }
0x9: {  	[smem:$0x3FA4] =	sst s1  }
0xa: {  	[smem:$0x3FA5] =	sst s2  }
0xb: {  	[smem:$0x3FA6] =	sst s3  }
0xc: {  	[smem:$0x3FA7] =	sst s4  }
0xd: {  	[smem:$0x3FA8] =	sst s5  }
0xe: {  	[smem:$0x3FA9] =	sst s6  }
0xf: {  	[smem:$0x3FAA] =	sst s7  }
0x10: {  	[smem:$0x3FAB] =	sst s8  }
0x11: {  	[smem:$0x3FAC] =	sst s9;
	s0 =	simm.s32 @!p0 $0x0  }
0x12: {  	s1 =	sld [smem:$0x3F92];
	s0 =	simm.s32 @p0 $0x1  }
0x13: {  	[smem:$0x3FAD] =	sst s0;
	s0 =	simm.s32 @!p1 $0x0  }
0x14: {  	s2 =	sld [smem:$0x3F91];
	s0 =	simm.s32 @p1 $0x1  }
0x15: {  	[smem:$0x3FAE] =	sst s0;
	s0 =	simm.s32 @!p2 $0x0  }
0x16: {  	s3 =	sld [smem:$0x3FDB];
	s0 =	simm.s32 @p2 $0x1  }
0x17: {  	s4 =	simm.s32 $0x1BF5;
	[smem:$0x3FB0] =	sst s0  }
0x18: {  	s0 =	sld [smem:$0x3F93];
	_ =	swait.ge [sflag:s4], $0x0  }
0x19: {  	s7 =	sld [smem:$0x3F94]  }
0x1a: {  	s8 =	sadd.s32 $0xFFFFE003, lr  }
0x1b: {  	s9 =	sadd.s32 $0xFFFFFEF7, lr;
	s5 =	simm.s32 $0xFFFFFFFF;
	p2 =	slt.u32 s8, $0xFFFFF086  }
0x1c: {  	p1 =	slt.u32 s9, $0xF7A;
	s5 =	simm.s32 @!p2 $0x0  }
0x1d: {  	s5 =	simm.s32 @p1 $0x1;
	p0 =	seq.s32 s7, s2  }
0x1e: {  	s7 =	smul.u32 @!p0 $0xF7A, s2;
	p2 =	seq.s32 @!p0 s5, $0x0  }
0x1f: {  	s9 =	smul.u32 $0xF7A, s1;
	s8 =	simm.s32 @!p0 $0x1BF5;
	p2 =	por !p2, p0  }
0x20: {  	[sflag:s8] =	ssyncset.s32 @!p0 $0xFFFFF086;
	s6 =	sadd.s32 @!p0 s3, s7;
	s7 =	simm.s32 @!p0 $0x108  }
0x21: {  	s3 =	sadd.s32 s3, s9;
	s6 =	sadd.s32 @!p0 $0x88, s6;
	s7 =	simm.s32 @p2 $0x1082  }
0x22: {  	[simem:s7], [sflag:s8] =	dma.local @!p0 [hbm:s6], $0xF7A  }
0x23: {  	s9 =	sor.u32 $0xD0000000, s2;
	s6 =	simm.s32 $0x108;
	_ =	swait.ge @!p0 [sflag:s8], $0x0  }
0x24: {  	s3 =	sadd.s32 $0x88, s3;
	s6 =	simm.s32 @!p1 $0x1082;
	[sflag:s4] =	ssyncset.s32 $0xFFFFF086  }
0x25: {  	[simem:s6], [sflag:s4] =	dma.local [hbm:s3], $0xF7A  }
0x26: {  	[smem:$0x3F94] =	sst s1;
	(tag) =	ssettag s2;
	_ =	strace s9  }
0x27: {  	s1 =	sld [smem:$0x3FA4]  }
0x28: {  	s2 =	sld [smem:$0x3FA5]  }
0x29: {  	s4 =	sld [smem:$0x3FA7]  }
0x2a: {  	p0 =	seq.s32 s5, $0x0;
	s5 =	sld [smem:$0x3FA8]  }
0x2b: {  	s6 =	sld [smem:$0x3FA9]  }
0x2c: {  	s7 =	sld [smem:$0x3FAA]  }
0x2d: {  	s3 =	simm.s32 $0x108;
	s8 =	sld [smem:$0x3FAB]  }
0x2e: {  	s3 =	simm.s32 @!p0 $0x1082;
	s9 =	sld [smem:$0x3FAC]  }
0x2f: {  	lr =	sadd.s32 s0, s3;
	s0 =	sld [smem:$0x3FA3]  }
0x30: {  	s3 =	sld [smem:$0x3FA6]  }
0x31: {  	[smem:$0x3FAF] =	sst s10  }
0x32: {  	s10 =	sld [smem:$0x3FAD];
	_ =	sdelay $0x3  }
0x33: {  	p0 =	seq.s32 s10, $0x1;
	s10 =	sld [smem:$0x3FAF];
	_ =	sdelay $0x3  }
0x34: {  	[smem:$0x3FAF] =	sst s10  }
0x35: {  	s10 =	sld [smem:$0x3FAE];
	_ =	sdelay $0x3  }
0x36: {  	p1 =	seq.s32 s10, $0x1;
	s10 =	sld [smem:$0x3FAF];
	_ =	sdelay $0x3  }
0x37: {  	[smem:$0x3FAF] =	sst s10  }
0x38: {  	s10 =	sld [smem:$0x3FB0]  }
0x39: {  	_ = 	snop;
	(pc) =	sbr.ind lr, $3  }
0x3a: {  	_ = 	snop  }
0x3b: {  	_ = 	snop  }
0x3c: {  	p2 =	seq.s32 s10, $0x1;
	s10 =	sld [smem:$0x3FAF]  }
0x3d: {  	_ =	shalt  }
0x3e: {  	_ =	shalt  }
0x3f: {  	_ =	shalt  }
0x40: {  	_ =	shalt  }
0x41: {  	_ =	shalt  }
0x42: {  	_ =	shalt  }
0x43: {  	_ =	shalt  }
0x44: {  	_ =	shalt  }
0x45: {  	_ =	shalt  }
0x46: {  	_ =	shalt  }
0x47: {  	_ =	shalt  }
0x48: {  	_ =	shalt  }
0x49: {  	_ =	shalt  }
0x4a: {  	_ =	shalt  }
0x4b: {  	_ =	shalt  }
0x4c: {  	_ =	shalt  }
0x4d: {  	_ =	shalt  }
0x4e: {  	_ =	shalt  }
0x4f: {  	_ =	shalt  }
0x50: {  	_ =	shalt  }
0x51: {  	_ =	shalt  }
0x52: {  	_ =	shalt  }
0x53: {  	_ =	shalt  }
0x54: {  	_ =	shalt  }
0x55: {  	_ =	shalt  }
0x56: {  	_ =	shalt  }
0x57: {  	_ =	shalt  }
0x58: {  	_ =	shalt  }
0x59: {  	_ =	shalt  }
0x5a: {  	_ =	shalt  }
0x5b: {  	_ =	shalt  }
0x5c: {  	_ =	shalt  }
0x5d: {  	_ =	shalt  }
0x5e: {  	_ =	shalt  }
0x5f: {  	_ =	shalt  }
0x60: {  	_ =	shalt  }
0x61: {  	_ =	shalt  }
0x62: {  	_ =	shalt  }
0x63: {  	_ =	shalt  }
0x64: {  	_ =	shalt  }
0x65: {  	_ =	shalt  }
0x66: {  	_ =	shalt  }
0x67: {  	_ =	shalt  }
0x68: {  	_ =	shalt  }
0x69: {  	_ =	shalt  }
0x6a: {  	_ =	shalt  }
0x6b: {  	_ =	shalt  }
0x6c: {  	_ =	shalt  }
0x6d: {  	_ =	shalt  }
0x6e: {  	_ =	shalt  }
0x6f: {  	_ =	shalt  }
0x70: {  	_ =	shalt  }
0x71: {  	_ =	shalt  }
0x72: {  	_ =	shalt  }
0x73: {  	_ =	shalt  }
0x74: {  	_ =	shalt  }
0x75: {  	_ =	shalt  }
0x76: {  	_ =	shalt  }
0x77: {  	_ =	shalt  }
0x78: {  	_ =	shalt  }
0x79: {  	_ =	shalt  }
0x7a: {  	_ =	shalt  }
0x7b: {  	_ =	shalt  }
0x7c: {  	_ =	shalt  }
0x7d: {  	_ =	shalt  }
0x7e: {  	_ =	shalt  }
0x7f: {  	_ =	shalt  }
0x80: {  	_ =	shalt  }
0x81: {  	_ =	shalt  }
0x82: {  	_ =	shalt  }
0x83: {  	_ =	shalt  }
0x84: {  	_ =	shalt  }
0x85: {  	_ =	shalt  }
0x86: {  	_ =	shalt  }
0x87: {  	_ =	shalt  }
.Lfunc_end0:
.L_simem_size_0:
called_computation_lowered:
.L_overlay_start_0:
0x88: {  	s2 =	sld [smem:$0x3FD9]  }
0x89: {  	s3 =	sld [smem:$0x3FFE];
	_ =	sdelay $0x1  }
0x8a: {  	s1 =	srdreg.scid  }
0x8b: {  	s0 =	sand.u32 $0x1, s1  }
0x8c: {  	s17 =	sshll.u32 s0, $0xA;
	s2 =	sadd.s32 s3, s2  }
0x8d: {  	s2 =	sadd.s32 s2, s17  }
0x8e: {  	[smem:$0x3FBB] =	sst s2  }
0x8f: {  	_ = 	snop  }
0x90: {  	s2 =	sld [smem:$0x3FC9];
	(tm) =	ssettm $0x1  }
0x91: {  	s18 =	sld [smem:$0x3FFB];
	_ =	sdelay $0x3  }
0x92: {  	_ =	strace s18  }
0x93: {  	s3 =	sld [smem:$0x3FFC];
	_ =	sdelay $0x3  }
0x94: {  	_ =	strace s3  }
0x95: {  	s3 =	sld [smem:$0x3FFD];
	_ =	sdelay $0x3  }
0x96: {  	_ =	strace s3  }
0x97: {  	_ =	strace $0x8FFFFFFF  }
0x98: {  	s19 =	sld [smem:$0x3FDB];
	_ =	sdelay $0x1  }
0x99: {  	s4 =	simm.s32 $_scs_section_size  }
0x9a: {  	s5 =	simm.s32 $_size__tile_overlayer_lowered;
	s6 =	simm.s32 $_tile_overlayer_lowered  }
0x9b: {  	s22 =	simm.s32 $0x1BFF;
	s21 =	sshll.u32 s6, $0x1;
	s3 =	sadd.s32 s4, s19  }
0x9c: {  	s7 =	simm.s32 $0x0;
	s20 =	sshll.u32 s5, $0x1;
	s5 =	sadd.s32 s21, s3  }
0x9d: {  	[timem:s7], [sflag:s22] =	dma.local [hbm:s5], s20  }
0x9e: {  	_ =	swait.ge [sflag:s22], s20  }
0x9f: {  	s4 =	ssub.s32 $0x0, s20;
	[sflag:s22] =	ssyncset.done $0x0  }
0xa0: {  	[sflag:s22] =	ssyncadd.s32 s4;
	_ =	sdelay $0x1  }
0xa1: {  	s23 =	simm.s32 $0x1B8B  }
0xa2: {  	_ =	swait.ge [sflag:s23], $0x1  }
0xa3: {  	[sflag:s23] =	ssyncset.done $0x0  }
0xa4: {  	s25 =	simm.s32 $0x1B8E;
	s24 =	sld [smem:$0x3FFE];
	[sflag:s23] =	ssyncadd.s32 $0xFFFFFFFF  }
0xa5: {  	s26 =	simm.s32 $execute0_lowered;
	[smem:$0x3FD2] =	sst s25  }
0xa6: {  	s5 =	sshll.u32 s26, $0x1;
	_ =	strace $0x80000046;
	[dreg:$0x1] =	wrdreg $0xFFFFFFFF  }
0xa7: {  	s28 =	simm.s32 $_size_execute0_lowered;
	s3 =	sadd.s32 s3, s5;
	[dreg:$0x0] =	wrdreg $0x0  }
0xa8: {  	s5 =	sshll.u32 s28, $0x1;
	[dreg:$0x2] =	wrdreg s3  }
0xa9: {  	[dreg:$0x3] =	wrdreg s5  }
0xaa: {  	[dreg:$0x4] =	wrdreg $0xC0  }
0xab: {  	_ =	task [dreg:s7], $0x5FFFF  }
0xac: {  	[dreg:$0x1] =	wrdreg $0xFFFFFFFF  }
0xad: {  	[dreg:$0x0] =	wrdreg $0x60  }
0xae: {  	[dreg:$0x2] =	wrdreg s2  }
0xaf: {  	[dreg:$0x3] =	wrdreg s24  }
0xb0: {  	[dreg:$0x4] =	wrdreg $0xD0000  }
0xb1: {  	[dreg:$0x5] =	wrdreg $0x150000  }
0xb2: {  	[dreg:$0x6] =	wrdreg $0x9  }
0xb3: {  	_ =	task.clear_ibuf [dreg:s7], $0x7FFFF;
	_ =	strace $0x90000046  }
0xb4: {  	s29 =	simm.s32 $0x9;
	_ =	strace $0x80000048  }
0xb5: {  	_ =	swait.ge [sflag:s29], $0x1  }
0xb6: {  	[sflag:s29] =	ssyncadd.s32 $0xFFFFFFFF  }
0xb7: {  	_ =	strace $0x90000048  }
0xb8: {  	_ =	sfence  }
0xb9: {  	s30 =	sld [smem:$0x0];
	_ =	sdelay $0x2  }
0xba: {  	s31 =	sshll.u32 s1, $0xD;
	s1 =	sshrl.u32 s1, $0x2  }
0xbb: {  	s3 =	sand.u32 $0x4000, s31;
	s1 =	sadd.s32 s1, s30  }
0xbc: {  	s0 =	sor.u32 s3, s0;
	s1 =	sshll.u32 s1, $0x11  }
0xbd: {  	s0 =	sor.u32 s1, s0  }
0xbe: {  	s0 =	sadd.s32 $0x8F2B, s0  }
0xbf: {  	[sflag:s0] =	ssyncadd.remote.s32 $0x1  }
0xc0: {  	_ =	sfence.sel $0xFFFF  }
0xc1: {  	[dreg:$0x0] =	wrdreg $0xFFFFFFFF;
	(pc) =	sbr.abs _section_cstart, $3  }
0xc2: {  	[dreg:$0x1] =	wrdreg $0xFFFFFFFF  }
0xc3: {  	_ =	task.clear_ibuf [dreg:s7], $0x2FFFF;
	_ =	strace $0x9FFFFFFF  }
0xc4: {  	(tm) =	ssettm $0x7FFFFFFF  }
0xc5: {  	_ =	shalt  }
tec
execute0_lowered:
.L_overlay_start_1:
0x0: {  	(tag) =	ssettag $0x1  }
0x1: {  	s1 =	rddreg [dreg:$0x0]  }
0x2: {  	s6 =	rddreg [dreg:$0x1]  }
0x3: {  	s2 =	srdreg.scid;
	s3 =	rddreg [dreg:$0x2]  }
0x4: {  	s0 =	stileid.u32;
	s4 =	rddreg [dreg:$0x3];
	s5 =	simm.s32 $0x0  }
0x5: {  	s18 =	simm.s32 $0x2800;
	s19 =	simm.s32 $0x5000;
	s20 =	simm.s32 $0x80  }
0x6: {  	s21 =	simm.s32 $0x1;
	s22 =	simm.s32 $0x9000;
	s23 =	simm.s32 $0x2  }
0x7: {  	s24 =	simm.s32 $0x0;
	s9 =	sand.u32 $0x1, s2;
	s2 =	rddreg [dreg:$0x4]  }
0x8: {  	s30 =	sshll.u32 s0, $0x1;
	[smem:$0x7FF] =	sst s5;
	s14 =	sadd.s32 $0x17000, s6  }
0x9: {  	s15 =	sadd.s32 $0x37000, s6;
	s10 =	sshll.u32 s0, $0xF;
	s7 =	sor.u32 s9, s30  }
0xa: {  	_ =	strace $0x80000047;
	s8 =	ssub.s32 $0x2, s9;
	s11 =	sshll.u32 s9, $0x13  }
0xb: {  	s9 =	sadd.s32 s10, s4;
	s12 =	sor.u32 $0x4000, s10;
	s7 =	smul.u32 $0x500, s7  }
0xc: {  	s31 =	sshrl.u32 s8, $0x1;
	s13 =	sor.u32 s10, s11;
	s17 =	sor.u32 s11, s12  }
0xd: {  	s11 =	sadd.s32 s12, s4;
	s16 =	ssub.s32 s8, s31;
	s8 =	sadd.s32 s10, s3  }
0xe: {  	s10 =	sadd.s32 s12, s3;
	s13 =	sshrl.u32 s13, $0x3;
	s17 =	sshrl.u32 s17, $0x3  }
0xf: {  	s7 =	sadd.s32 s7, s6;
	s12 =	sadd.s32 s14, s13;
	s13 =	sadd.s32 s15, s13  }
0x10: {  	s14 =	sadd.s32 s14, s17;
	s15 =	sadd.s32 s15, s17;
	s16 =	smax.u32 s16, $0x1  }
0x11: {  	v0 =	vimm.f32 $0.0e+00;
	v1 =	vimm.f32 $1.000000000e+00;
	s17 =	simm.s32 $0x3;
	s6 =	sadd.s32 $0x3000, s7;
	s7 =	sadd.s32 $0xD000, s7  }
.LBB2_1:
0x12: {  	s25 =	simm.s32 $0x0;
	s26 =	simm.s32 $0x200  }
.LBB2_2:
0x13: {  	p0 =	sne.s32 s26, $0xFE00;
	[tilespmem:s25+$0x9070] =	vst v1  }
0x14: {  	[tilespmem:s25+$0x5000] =	vst v0  }
0x15: {  	[tilespmem:s25+$0x9000] =	vst v1  }
0x16: {  	[tilespmem:s25+$0x5010] =	vst v0  }
0x17: {  	[tilespmem:s25+$0x9010] =	vst v1  }
0x18: {  	[tilespmem:s25+$0x5020] =	vst v0  }
0x19: {  	[tilespmem:s25+$0x9020] =	vst v1  }
0x1a: {  	[tilespmem:s25+$0x5030] =	vst v0  }
0x1b: {  	[tilespmem:s25+$0x9030] =	vst v1  }
0x1c: {  	[tilespmem:s25+$0x5040] =	vst v0  }
0x1d: {  	[tilespmem:s25+$0x9040] =	vst v1  }
.Ltmp0:
0x1e: {  	[tilespmem:s25+$0x5050] =	vst v0;
	(pc) =	sbr.rel @p0 .LBB2_2-.Ltmp0, $4  }
0x1f: {  	[tilespmem:s25+$0x9050] =	vst v1  }
0x20: {  	[tilespmem:s25+$0x5060] =	vst v0  }
0x21: {  	[tilespmem:s25+$0x9060] =	vst v1  }
0x22: {  	[tilespmem:s25+$0x5070] =	vst v0;
	s25 =	sshra.s32 s26, $0x2;
	s26 =	sadd.s32 $0x200, s26  }
0x23: {  	[tilespmem:s25+$0x9070] =	vst v1  }
0x24: {  	[tilespmem:s25+$0x5000] =	vst v0  }
0x25: {  	[tilespmem:s25+$0x9000] =	vst v1  }
0x26: {  	[tilespmem:s25+$0x5010] =	vst v0  }
0x27: {  	[tilespmem:s25+$0x9010] =	vst v1  }
0x28: {  	[tilespmem:s25+$0x5020] =	vst v0  }
0x29: {  	[tilespmem:s25+$0x9020] =	vst v1  }
0x2a: {  	[tilespmem:s25+$0x5030] =	vst v0  }
0x2b: {  	[tilespmem:s25+$0x9030] =	vst v1  }
0x2c: {  	[tilespmem:s25+$0x5040] =	vst v0  }
0x2d: {  	[tilespmem:s25+$0x9040] =	vst v1  }
0x2e: {  	[tilespmem:s25+$0x5050] =	vst v0  }
0x2f: {  	[tilespmem:s25+$0x9050] =	vst v1  }
0x30: {  	[tilespmem:s25+$0x5060] =	vst v0  }
0x31: {  	[tilespmem:s25+$0x9060] =	vst v1  }
0x32: {  	[tilespmem:s25+$0x5070] =	vst v0;
	s29 =	simm.s32 $0x0  }
0x33: {  	[tilespmem:s29], [sflag:$0x3] =	stream.linear.gather [hbm4b:s6+s29], $0x2780, $0x38;
	[tilespmem:$0x1D000] =	vst v63  }
0x34: {  	_ =	swait.ge [sflag:s17], $0x2780  }
0x35: {  	[sflag:s17] =	ssyncset.done $0x0  }
0x36: {  	[sflag:s17] =	ssyncadd.s32 $0xFFFFD880  }
0x37: {  	[tilespmem:s18], [sflag:$0x3] =	stream.linear.gather [hbm4b:s7+s29], $0x2780, $0x38;
	[tilespmem:$0x1D000] =	vst v63  }
0x38: {  	_ =	swait.ge [sflag:s17], $0x2780  }
0x39: {  	[sflag:s17] =	ssyncset.done $0x0  }
0x3a: {  	[sflag:s17] =	ssyncadd.s32 $0xFFFFD880  }
0x3b: {  	[spmem:s8] =	stream.linear.scatter [tilespmem:s19], [sflag:$0x3], $0x4000, $0x38;
	[tilespmem:$0x1D000] =	vst v63  }
0x3c: {  	_ =	swait.ge [sflag:s17], $0x4000  }
0x3d: {  	[sflag:s17] =	ssyncset.done $0x0  }
0x3e: {  	[sflag:s17] =	ssyncadd.s32 $0xFFFFC000  }
0x3f: {  	[spmem:s9] =	stream.linear.scatter [tilespmem:s19], [sflag:$0x3], $0x4000, $0x38;
	[tilespmem:$0x1D000] =	vst v63  }
0x40: {  	_ =	swait.ge [sflag:s17], $0x4000  }
0x41: {  	[sflag:s17] =	ssyncset.done $0x0  }
0x42: {  	[sflag:s17] =	ssyncadd.s32 $0xFFFFC000  }
0x43: {  	[spmem:s10] =	stream.linear.scatter [tilespmem:s19], [sflag:$0x3], $0x4000, $0x38;
	[tilespmem:$0x1D000] =	vst v63  }
0x44: {  	_ =	swait.ge [sflag:s17], $0x4000  }
0x45: {  	[sflag:s17] =	ssyncset.done $0x0  }
0x46: {  	[sflag:s17] =	ssyncadd.s32 $0xFFFFC000  }
0x47: {  	[spmem:s11] =	stream.linear.scatter [tilespmem:s19], [sflag:$0x3], $0x4000, $0x38;
	[tilespmem:$0x1D000] =	vst v63  }
0x48: {  	_ =	swait.ge [sflag:s17], $0x4000  }
0x49: {  	[sflag:s17] =	ssyncset.done $0x0  }
0x4a: {  	[sflag:s17] =	ssyncadd.s32 $0xFFFFC000  }
0x4b: {  	s30 =	simm.s32 $0x0;
	[bflag:$0x0] =	sbarrier.arrive $0xFFFF  }
0x4c: {  	[tilespmem:s19], [sflag:$0x1] =	stream.indirect.gather [hbm4b:s1+s20], $0x80, s30, s20, $0xb8;
	[tilespmem:$0x1D000] =	vst v63  }
0x4d: {  	_ =	swait.ge [sflag:s21], $0x4000  }
0x4e: {  	[sflag:s21] =	ssyncset.done $0x0  }
0x4f: {  	s31 =	simm.s32 $0x2800;
	[sflag:s21] =	ssyncadd.s32 $0xFFFFC000  }
0x50: {  	[spmem:s4] =	stream.indirect.scatter.add.f32 [tilespmem:s22], [sflag:$0x2], $0x80, s31, s20, $0xb8;
	[tilespmem:$0x1D000] =	vst v63  }
0x51: {  	_ = 	snop  }
0x52: {  	[spmem:s3] =	stream.indirect.scatter.add.f32 [tilespmem:s19], [sflag:$0x3], $0x80, s31, s20, $0xb8;
	[tilespmem:$0x1D000] =	vst v63  }
0x53: {  	_ =	swait.ge [sflag:s17], $0x4000  }
0x54: {  	[sflag:s17] =	ssyncset.done $0x0  }
0x55: {  	[sflag:s17] =	ssyncadd.s32 $0xFFFFC000  }
0x56: {  	_ =	swait.ge [sflag:s23], $0x4000  }
0x57: {  	s25 =	simm.s32 $0x200;
	s26 =	simm.s32 $0x400;
	[sflag:s23] =	ssyncset.done $0x0  }
.LBB2_4:
0x58: {  	s28 =	sshra.s32 s25, $0x2  }
0x59: {  	[sflag:s23] =	ssyncadd.s32 $0xFFFFC000;
	s25 =	smov.u32 s26;
	s29 =	sadd.s32 $0x200, s26  }
0x5a: {  	[tilespmem:s19], [sflag:$0x1] =	stream.indirect.gather [hbm4b:s1+s20], $0x80, s28, s20, $0xb8;
	[tilespmem:$0x1D000] =	vst v63  }
0x5b: {  	p0 =	sne.s32 s26, $0x9C00;
	_ =	swait.ge [sflag:s21], $0x4000  }
0x5c: {  	[sflag:s21] =	ssyncset.done $0x0  }
0x5d: {  	s26 =	sadd.s32 $0x2800, s28;
	[sflag:s21] =	ssyncadd.s32 $0xFFFFC000  }
0x5e: {  	[spmem:s4] =	stream.indirect.scatter.add.f32 [tilespmem:s22], [sflag:$0x2], $0x80, s26, s20, $0xb8;
	[tilespmem:$0x1D000] =	vst v63  }
0x5f: {  	_ = 	snop  }
0x60: {  	[spmem:s3] =	stream.indirect.scatter.add.f32 [tilespmem:s19], [sflag:$0x3], $0x80, s26, s20, $0xb8;
	[tilespmem:$0x1D000] =	vst v63  }
.Ltmp1:
0x61: {  	_ =	swait.ge [sflag:s17], $0x4000;
	(pc) =	sbr.rel @p0 .LBB2_4-.Ltmp1, $4  }
0x62: {  	[sflag:s17] =	ssyncset.done $0x0  }
0x63: {  	[sflag:s17] =	ssyncadd.s32 $0xFFFFC000  }
0x64: {  	_ =	swait.ge [sflag:s23], $0x4000  }
0x65: {  	s26 =	smov.u32 s29;
	[sflag:s23] =	ssyncset.done $0x0  }
0x66: {  	s25 =	sshra.s32 s25, $0x2;
	[sflag:s23] =	ssyncadd.s32 $0xFFFFC000  }
0x67: {  	[tilespmem:s19], [sflag:$0x1] =	stream.indirect.gather [hbm4b:s1+s20], $0x80, s25, s20, $0xb8;
	[tilespmem:$0x1D000] =	vst v63  }
0x68: {  	_ =	swait.ge [sflag:s21], $0x4000  }
0x69: {  	[sflag:s21] =	ssyncset.done $0x0  }
0x6a: {  	s25 =	sadd.s32 $0x2800, s25;
	[sflag:s21] =	ssyncadd.s32 $0xFFFFC000  }
0x6b: {  	[spmem:s4] =	stream.indirect.scatter.add.f32 [tilespmem:s22], [sflag:$0x2], $0x80, s25, s20, $0xb8;
	[tilespmem:$0x1D000] =	vst v63  }
0x6c: {  	_ = 	snop  }
0x6d: {  	[spmem:s3] =	stream.indirect.scatter.add.f32 [tilespmem:s19], [sflag:$0x3], $0x80, s25, s20, $0xb8;
	[tilespmem:$0x1D000] =	vst v63  }
0x6e: {  	_ =	swait.ge [sflag:s17], $0x4000  }
0x6f: {  	[sflag:s17] =	ssyncset.done $0x0  }
0x70: {  	[sflag:s17] =	ssyncadd.s32 $0xFFFFC000  }
0x71: {  	_ =	swait.ge [sflag:s23], $0x4000  }
0x72: {  	[sflag:s23] =	ssyncset.done $0x0  }
0x73: {  	[sflag:s23] =	ssyncadd.s32 $0xFFFFC000  }
0x74: {  	[bflag:$0x0] =	sbarrier.arrive $0xFFFF  }
0x75: {  	[tilespmem:s19], [sflag:$0x3] =	stream.linear.gather [spmem:s8], $0x4000, $0x38;
	[tilespmem:$0x1D000] =	vst v63  }
0x76: {  	_ =	swait.ge [sflag:s17], $0x4000  }
0x77: {  	[sflag:s17] =	ssyncset.done $0x0  }
0x78: {  	[sflag:s17] =	ssyncadd.s32 $0xFFFFC000  }
0x79: {  	[hbm4b:s12+s5] =	stream.linear.scatter [tilespmem:s19], [sflag:$0x3], $0x4000, $0x38;
	[tilespmem:$0x1D000] =	vst v63  }
0x7a: {  	_ =	swait.ge [sflag:s17], $0x4000  }
0x7b: {  	[sflag:s17] =	ssyncset.done $0x0  }
0x7c: {  	[sflag:s17] =	ssyncadd.s32 $0xFFFFC000  }
0x7d: {  	[tilespmem:s22], [sflag:$0x3] =	stream.linear.gather [spmem:s9], $0x4000, $0x38;
	[tilespmem:$0x1D000] =	vst v63  }
0x7e: {  	_ =	swait.ge [sflag:s17], $0x4000  }
0x7f: {  	[sflag:s17] =	ssyncset.done $0x0  }
0x80: {  	[sflag:s17] =	ssyncadd.s32 $0xFFFFC000  }
0x81: {  	[hbm4b:s13+s5] =	stream.linear.scatter [tilespmem:s22], [sflag:$0x3], $0x4000, $0x38;
	[tilespmem:$0x1D000] =	vst v63  }
0x82: {  	_ =	swait.ge [sflag:s17], $0x4000  }
0x83: {  	[sflag:s17] =	ssyncset.done $0x0  }
0x84: {  	[sflag:s17] =	ssyncadd.s32 $0xFFFFC000  }
0x85: {  	[tilespmem:s19], [sflag:$0x3] =	stream.linear.gather [spmem:s10], $0x4000, $0x38;
	[tilespmem:$0x1D000] =	vst v63  }
0x86: {  	_ =	swait.ge [sflag:s17], $0x4000  }
0x87: {  	[sflag:s17] =	ssyncset.done $0x0  }
0x88: {  	[sflag:s17] =	ssyncadd.s32 $0xFFFFC000  }
0x89: {  	[hbm4b:s14+s5] =	stream.linear.scatter [tilespmem:s19], [sflag:$0x3], $0x4000, $0x38;
	[tilespmem:$0x1D000] =	vst v63  }
0x8a: {  	_ =	swait.ge [sflag:s17], $0x4000  }
0x8b: {  	[sflag:s17] =	ssyncset.done $0x0  }
0x8c: {  	[sflag:s17] =	ssyncadd.s32 $0xFFFFC000  }
0x8d: {  	[tilespmem:s22], [sflag:$0x3] =	stream.linear.gather [spmem:s11], $0x4000, $0x38;
	[tilespmem:$0x1D000] =	vst v63  }
0x8e: {  	s24 =	sadd.s32 $0x1, s24;
	_ =	swait.ge [sflag:s17], $0x4000  }
0x8f: {  	p0 =	sne.s32 s24, s16;
	[sflag:s17] =	ssyncset.done $0x0  }
.Ltmp2:
0x90: {  	[sflag:s17] =	ssyncadd.s32 $0xFFFFC000;
	(pc) =	sbr.rel @p0 .LBB2_1-.Ltmp2, $4  }
0x91: {  	[hbm4b:s15+s5] =	stream.linear.scatter [tilespmem:s22], [sflag:$0x3], $0x4000, $0x38;
	[tilespmem:$0x1D000] =	vst v63  }
0x92: {  	_ =	swait.ge [sflag:s17], $0x4000  }
0x93: {  	[sflag:s17] =	ssyncset.done $0x0  }
0x94: {  	[sflag:s17] =	ssyncadd.s32 $0xFFFFC000  }
0x95: {  	_ =	sfence.sel $0x180000  }
0x96: {  	[bflag:$0x0] =	sbarrier.arrive $0xFFFF  }
0x97: {  	p0 =	sne.s32 s0, $0x0;
	_ =	strace $0x90000047  }
0x98: {  	s0 =	sadd.s32 @!p0 $0x100000, s2;
	[bflag:$0x2] =	sbarrier.arrive $0xFFFF  }
0x99: {  	[sflag:s0] =	ssyncadd.tile.s32 @!p0 $0x1;
	_ =	shalt  }
.Lfunc_end2:
_tile_overlayer_lowered:
.L_overlay_start_2:
0x9a: {  	(tag) =	ssettag $0x2  }
0x9b: {  	s0 =	rddreg [dreg:$0x0];
	s2 =	stileid.u32  }
0x9c: {  	s1 =	rddreg [dreg:$0x1];
	p0 =	sne.s32 s2, $0x0  }
0x9d: {  	s3 =	rddreg [dreg:$0x2];
	[bflag:$0x3] =	sbarrier.arrive $0xFFFF;
	s2 =	simm.s32 @!p0 $0x1C03  }
0x9e: {  	[timem:s3], [sflag:s2] =	dma.local @!p0 [hbm:s0], s1  }
0x9f: {  	s0 =	simm.s32 @!p0 $0x3  }
0xa0: {  	_ =	swait.ge @!p0 [sflag:s0], s1  }
0xa1: {  	s1 =	ssub.s32 @!p0 $0x0, s1;
	[sflag:s0] =	ssyncset.done @!p0 $0x0  }
0xa2: {  	[sflag:s0] =	ssyncadd.s32 @!p0 s1  }
0xa3: {  	[bflag:$0x3] =	sbarrier.arrive $0xFFFF  }
0xa4: {  	_ =	shalt  }

// kernel: kernel.9.cloned.1.call-start
scs
__scs_entry_jumppad:
0x0: {  	(pc) =	sbr.rel $0x88, $3  }
0x1: {  	(tag) =	ssettag $0x0;
	lr =	simm.s32 $0x1  }
0x2: {  	[smem:$0x3F94] =	sst lr;
	_ =	strace $0xD0000000  }
0x3: {  	_ = 	snop  }
0x4: {  	_ = 	snop  }
0x5: {  	_ = 	snop  }
0x6: {  	_ = 	snop  }
0x7: {  	_ = 	snop  }
__scs_overlays_trampoline_lowered:
0x8: {  	[smem:$0x3FA3] =	sst s0  }
0x9: {  	[smem:$0x3FA4] =	sst s1  }
0xa: {  	[smem:$0x3FA5] =	sst s2  }
0xb: {  	[smem:$0x3FA6] =	sst s3  }
0xc: {  	[smem:$0x3FA7] =	sst s4  }
0xd: {  	[smem:$0x3FA8] =	sst s5  }
0xe: {  	[smem:$0x3FA9] =	sst s6  }
0xf: {  	[smem:$0x3FAA] =	sst s7  }
0x10: {  	[smem:$0x3FAB] =	sst s8  }
0x11: {  	[smem:$0x3FAC] =	sst s9;
	s0 =	simm.s32 @!p0 $0x0  }
0x12: {  	s1 =	sld [smem:$0x3F92];
	s0 =	simm.s32 @p0 $0x1  }
0x13: {  	[smem:$0x3FAD] =	sst s0;
	s0 =	simm.s32 @!p1 $0x0  }
0x14: {  	s2 =	sld [smem:$0x3F91];
	s0 =	simm.s32 @p1 $0x1  }
0x15: {  	[smem:$0x3FAE] =	sst s0;
	s0 =	simm.s32 @!p2 $0x0  }
0x16: {  	s3 =	sld [smem:$0x3FDB];
	s0 =	simm.s32 @p2 $0x1  }
0x17: {  	s4 =	simm.s32 $0x1BF5;
	[smem:$0x3FB0] =	sst s0  }
0x18: {  	s0 =	sld [smem:$0x3F93];
	_ =	swait.ge [sflag:s4], $0x0  }
0x19: {  	s7 =	sld [smem:$0x3F94]  }
0x1a: {  	s8 =	sadd.s32 $0xFFFFE003, lr  }
0x1b: {  	s9 =	sadd.s32 $0xFFFFFEF7, lr;
	s5 =	simm.s32 $0xFFFFFFFF;
	p2 =	slt.u32 s8, $0xFFFFF086  }
0x1c: {  	p1 =	slt.u32 s9, $0xF7A;
	s5 =	simm.s32 @!p2 $0x0  }
0x1d: {  	s5 =	simm.s32 @p1 $0x1;
	p0 =	seq.s32 s7, s2  }
0x1e: {  	s7 =	smul.u32 @!p0 $0xF7A, s2;
	p2 =	seq.s32 @!p0 s5, $0x0  }
0x1f: {  	s9 =	smul.u32 $0xF7A, s1;
	s8 =	simm.s32 @!p0 $0x1BF5;
	p2 =	por !p2, p0  }
0x20: {  	[sflag:s8] =	ssyncset.s32 @!p0 $0xFFFFF086;
	s6 =	sadd.s32 @!p0 s3, s7;
	s7 =	simm.s32 @!p0 $0x108  }
0x21: {  	s3 =	sadd.s32 s3, s9;
	s6 =	sadd.s32 @!p0 $0x88, s6;
	s7 =	simm.s32 @p2 $0x1082  }
0x22: {  	[simem:s7], [sflag:s8] =	dma.local @!p0 [hbm:s6], $0xF7A  }
0x23: {  	s9 =	sor.u32 $0xD0000000, s2;
	s6 =	simm.s32 $0x108;
	_ =	swait.ge @!p0 [sflag:s8], $0x0  }
0x24: {  	s3 =	sadd.s32 $0x88, s3;
	s6 =	simm.s32 @!p1 $0x1082;
	[sflag:s4] =	ssyncset.s32 $0xFFFFF086  }
0x25: {  	[simem:s6], [sflag:s4] =	dma.local [hbm:s3], $0xF7A  }
0x26: {  	[smem:$0x3F94] =	sst s1;
	(tag) =	ssettag s2;
	_ =	strace s9  }
0x27: {  	s1 =	sld [smem:$0x3FA4]  }
0x28: {  	s2 =	sld [smem:$0x3FA5]  }
0x29: {  	s4 =	sld [smem:$0x3FA7]  }
0x2a: {  	p0 =	seq.s32 s5, $0x0;
	s5 =	sld [smem:$0x3FA8]  }
0x2b: {  	s6 =	sld [smem:$0x3FA9]  }
0x2c: {  	s7 =	sld [smem:$0x3FAA]  }
0x2d: {  	s3 =	simm.s32 $0x108;
	s8 =	sld [smem:$0x3FAB]  }
0x2e: {  	s3 =	simm.s32 @!p0 $0x1082;
	s9 =	sld [smem:$0x3FAC]  }
0x2f: {  	lr =	sadd.s32 s0, s3;
	s0 =	sld [smem:$0x3FA3]  }
0x30: {  	s3 =	sld [smem:$0x3FA6]  }
0x31: {  	[smem:$0x3FAF] =	sst s10  }
0x32: {  	s10 =	sld [smem:$0x3FAD];
	_ =	sdelay $0x3  }
0x33: {  	p0 =	seq.s32 s10, $0x1;
	s10 =	sld [smem:$0x3FAF];
	_ =	sdelay $0x3  }
0x34: {  	[smem:$0x3FAF] =	sst s10  }
0x35: {  	s10 =	sld [smem:$0x3FAE];
	_ =	sdelay $0x3  }
0x36: {  	p1 =	seq.s32 s10, $0x1;
	s10 =	sld [smem:$0x3FAF];
	_ =	sdelay $0x3  }
0x37: {  	[smem:$0x3FAF] =	sst s10  }
0x38: {  	s10 =	sld [smem:$0x3FB0]  }
0x39: {  	_ = 	snop;
	(pc) =	sbr.ind lr, $3  }
0x3a: {  	_ = 	snop  }
0x3b: {  	_ = 	snop  }
0x3c: {  	p2 =	seq.s32 s10, $0x1;
	s10 =	sld [smem:$0x3FAF]  }
0x3d: {  	_ =	shalt  }
0x3e: {  	_ =	shalt  }
0x3f: {  	_ =	shalt  }
0x40: {  	_ =	shalt  }
0x41: {  	_ =	shalt  }
0x42: {  	_ =	shalt  }
0x43: {  	_ =	shalt  }
0x44: {  	_ =	shalt  }
0x45: {  	_ =	shalt  }
0x46: {  	_ =	shalt  }
0x47: {  	_ =	shalt  }
0x48: {  	_ =	shalt  }
0x49: {  	_ =	shalt  }
0x4a: {  	_ =	shalt  }
0x4b: {  	_ =	shalt  }
0x4c: {  	_ =	shalt  }
0x4d: {  	_ =	shalt  }
0x4e: {  	_ =	shalt  }
0x4f: {  	_ =	shalt  }
0x50: {  	_ =	shalt  }
0x51: {  	_ =	shalt  }
0x52: {  	_ =	shalt  }
0x53: {  	_ =	shalt  }
0x54: {  	_ =	shalt  }
0x55: {  	_ =	shalt  }
0x56: {  	_ =	shalt  }
0x57: {  	_ =	shalt  }
0x58: {  	_ =	shalt  }
0x59: {  	_ =	shalt  }
0x5a: {  	_ =	shalt  }
0x5b: {  	_ =	shalt  }
0x5c: {  	_ =	shalt  }
0x5d: {  	_ =	shalt  }
0x5e: {  	_ =	shalt  }
0x5f: {  	_ =	shalt  }
0x60: {  	_ =	shalt  }
0x61: {  	_ =	shalt  }
0x62: {  	_ =	shalt  }
0x63: {  	_ =	shalt  }
0x64: {  	_ =	shalt  }
0x65: {  	_ =	shalt  }
0x66: {  	_ =	shalt  }
0x67: {  	_ =	shalt  }
0x68: {  	_ =	shalt  }
0x69: {  	_ =	shalt  }
0x6a: {  	_ =	shalt  }
0x6b: {  	_ =	shalt  }
0x6c: {  	_ =	shalt  }
0x6d: {  	_ =	shalt  }
0x6e: {  	_ =	shalt  }
0x6f: {  	_ =	shalt  }
0x70: {  	_ =	shalt  }
0x71: {  	_ =	shalt  }
0x72: {  	_ =	shalt  }
0x73: {  	_ =	shalt  }
0x74: {  	_ =	shalt  }
0x75: {  	_ =	shalt  }
0x76: {  	_ =	shalt  }
0x77: {  	_ =	shalt  }
0x78: {  	_ =	shalt  }
0x79: {  	_ =	shalt  }
0x7a: {  	_ =	shalt  }
0x7b: {  	_ =	shalt  }
0x7c: {  	_ =	shalt  }
0x7d: {  	_ =	shalt  }
0x7e: {  	_ =	shalt  }
0x7f: {  	_ =	shalt  }
0x80: {  	_ =	shalt  }
0x81: {  	_ =	shalt  }
0x82: {  	_ =	shalt  }
0x83: {  	_ =	shalt  }
0x84: {  	_ =	shalt  }
0x85: {  	_ =	shalt  }
0x86: {  	_ =	shalt  }
0x87: {  	_ =	shalt  }
.Lfunc_end0:
.L_simem_size_0:
called_computation.1_lowered:
.L_overlay_start_0:
0x88: {  	s2 =	sld [smem:$0x3FD9]  }
0x89: {  	s3 =	sld [smem:$0x3FFE];
	_ =	sdelay $0x1  }
0x8a: {  	s1 =	srdreg.scid  }
0x8b: {  	s0 =	sand.u32 $0x1, s1  }
0x8c: {  	s17 =	sshll.u32 s0, $0xA;
	s2 =	sadd.s32 s3, s2  }
0x8d: {  	s2 =	sadd.s32 s2, s17  }
0x8e: {  	[smem:$0x3FBB] =	sst s2  }
0x8f: {  	_ = 	snop  }
0x90: {  	s2 =	sld [smem:$0x3FD0];
	(tm) =	ssettm $0x1  }
0x91: {  	s18 =	sld [smem:$0x3FFB];
	_ =	sdelay $0x3  }
0x92: {  	_ =	strace s18  }
0x93: {  	s3 =	sld [smem:$0x3FFC];
	_ =	sdelay $0x3  }
0x94: {  	_ =	strace s3  }
0x95: {  	s3 =	sld [smem:$0x3FFD];
	_ =	sdelay $0x3  }
0x96: {  	_ =	strace s3  }
0x97: {  	_ =	strace $0x8FFFFFFF  }
0x98: {  	s19 =	sld [smem:$0x3FDB];
	_ =	sdelay $0x1  }
0x99: {  	s4 =	simm.s32 $_scs_section_size  }
0x9a: {  	s5 =	simm.s32 $_size__tile_overlayer_lowered;
	s6 =	simm.s32 $_tile_overlayer_lowered  }
0x9b: {  	s22 =	simm.s32 $0x1BFF;
	s21 =	sshll.u32 s6, $0x1;
	s3 =	sadd.s32 s4, s19  }
0x9c: {  	s7 =	simm.s32 $0x0;
	s20 =	sshll.u32 s5, $0x1;
	s5 =	sadd.s32 s21, s3  }
0x9d: {  	[timem:s7], [sflag:s22] =	dma.local [hbm:s5], s20  }
0x9e: {  	_ =	swait.ge [sflag:s22], s20  }
0x9f: {  	s4 =	ssub.s32 $0x0, s20;
	[sflag:s22] =	ssyncset.done $0x0  }
0xa0: {  	[sflag:s22] =	ssyncadd.s32 s4;
	_ =	sdelay $0x1  }
0xa1: {  	s23 =	simm.s32 $0x1B8B  }
0xa2: {  	_ =	swait.ge [sflag:s23], $0x1  }
0xa3: {  	[sflag:s23] =	ssyncset.done $0x0  }
0xa4: {  	s25 =	simm.s32 $0x1B8E;
	s24 =	sld [smem:$0x3FFE];
	[sflag:s23] =	ssyncadd.s32 $0xFFFFFFFF  }
0xa5: {  	s26 =	simm.s32 $execute0_lowered;
	[smem:$0x3FD2] =	sst s25  }
0xa6: {  	s5 =	sshll.u32 s26, $0x1;
	_ =	strace $0x80000049;
	[dreg:$0x1] =	wrdreg $0xFFFFFFFF  }
0xa7: {  	s28 =	simm.s32 $_size_execute0_lowered;
	s3 =	sadd.s32 s3, s5;
	[dreg:$0x0] =	wrdreg $0x0  }
0xa8: {  	s5 =	sshll.u32 s28, $0x1;
	[dreg:$0x2] =	wrdreg s3  }
0xa9: {  	[dreg:$0x3] =	wrdreg s5  }
0xaa: {  	[dreg:$0x4] =	wrdreg $0xC0  }
0xab: {  	_ =	task [dreg:s7], $0x5FFFF  }
0xac: {  	[dreg:$0x1] =	wrdreg $0xFFFFFFFF  }
0xad: {  	[dreg:$0x0] =	wrdreg $0x60  }
0xae: {  	[dreg:$0x2] =	wrdreg s24  }
0xaf: {  	[dreg:$0x3] =	wrdreg s2  }
0xb0: {  	[dreg:$0x4] =	wrdreg $0xD0000  }
0xb1: {  	[dreg:$0x5] =	wrdreg $0xF0000  }
0xb2: {  	[dreg:$0x6] =	wrdreg $0x9  }
0xb3: {  	_ =	task.clear_ibuf [dreg:s7], $0x7FFFF;
	_ =	strace $0x90000049  }
0xb4: {  	s29 =	simm.s32 $0x9;
	_ =	strace $0x8000004B  }
0xb5: {  	_ =	swait.ge [sflag:s29], $0x1  }
0xb6: {  	[sflag:s29] =	ssyncadd.s32 $0xFFFFFFFF  }
0xb7: {  	_ =	strace $0x9000004B  }
0xb8: {  	_ =	sfence  }
0xb9: {  	s30 =	sld [smem:$0x0];
	_ =	sdelay $0x2  }
0xba: {  	s31 =	sshll.u32 s1, $0xD;
	s1 =	sshrl.u32 s1, $0x2  }
0xbb: {  	s3 =	sand.u32 $0x4000, s31;
	s1 =	sadd.s32 s1, s30  }
0xbc: {  	s0 =	sor.u32 s3, s0;
	s1 =	sshll.u32 s1, $0x11  }
0xbd: {  	s0 =	sor.u32 s1, s0  }
0xbe: {  	s0 =	sadd.s32 $0x8F2B, s0  }
0xbf: {  	[sflag:s0] =	ssyncadd.remote.s32 $0x1  }
0xc0: {  	_ =	sfence.sel $0xFFFF  }
0xc1: {  	[dreg:$0x0] =	wrdreg $0xFFFFFFFF;
	(pc) =	sbr.abs _section_cstart, $3  }
0xc2: {  	[dreg:$0x1] =	wrdreg $0xFFFFFFFF  }
0xc3: {  	_ =	task.clear_ibuf [dreg:s7], $0x2FFFF;
	_ =	strace $0x9FFFFFFF  }
0xc4: {  	(tm) =	ssettm $0x7FFFFFFF  }
0xc5: {  	_ =	shalt  }
tec
execute0_lowered:
.L_overlay_start_1:
0x0: {  	(tag) =	ssettag $0x1  }
0x1: {  	s6 =	rddreg [dreg:$0x0]  }
0x2: {  	s7 =	rddreg [dreg:$0x1]  }
0x3: {  	s1 =	rddreg [dreg:$0x2]  }
0x4: {  	s2 =	rddreg [dreg:$0x3]  }
0x5: {  	s0 =	rddreg [dreg:$0x4];
	s3 =	simm.s32 $0x0  }
0x6: {  	s8 =	srdreg.scid;
	s4 =	stileid.u32;
	s14 =	simm.s32 $0x1000  }
0x7: {  	s15 =	simm.s32 $0x5000;
	s16 =	simm.s32 $0x80;
	s17 =	simm.s32 $0x9000  }
0x8: {  	s18 =	simm.s32 $0x3;
	s19 =	simm.s32 $0x2;
	s20 =	simm.s32 $0x0  }
0x9: {  	[smem:$0x7FF] =	sst s3;
	s5 =	sadd.s32 $0x3000, s6;
	s8 =	sand.u32 $0x1, s8  }
0xa: {  	s9 =	sshll.u32 s4, $0x9;
	s10 =	sshll.u32 s4, $0xD;
	_ =	strace $0x8000004A  }
0xb: {  	s11 =	sshll.u32 s8, $0x11;
	s12 =	sshll.u32 s8, $0x8;
	s8 =	ssub.s32 $0x2, s8  }
0xc: {  	s11 =	sor.u32 s10, s11;
	s9 =	sor.u32 s12, s9;
	s31 =	sshrl.u32 s8, $0x1  }
0xd: {  	s11 =	sshrl.u32 s11, $0x3;
	s13 =	sadd.s32 s9, s6;
	s12 =	ssub.s32 s8, s31  }
0xe: {  	s8 =	sadd.s32 s10, s1;
	s11 =	sadd.s32 s11, s6;
	s6 =	sadd.s32 s7, s9  }
0xf: {  	s7 =	sadd.s32 $0x57000, s13;
	s9 =	sadd.s32 s10, s2;
	s12 =	smax.u32 s12, $0x1  }
0x10: {  	v0 =	vimm.f32 $0.0e+00;
	v1 =	vimm.f32 $1.000000000e+00;
	s13 =	simm.s32 $0x4;
	s10 =	sadd.s32 $0x12A00, s11;
	s11 =	sadd.s32 $0x1AA00, s11  }
.LBB2_1:
0x11: {  	s21 =	simm.s32 $0x0;
	s22 =	simm.s32 $0x200  }
.LBB2_2:
0x12: {  	p0 =	sne.s32 s22, $0xFE00;
	[tilespmem:s21+$0x9070] =	vst v1  }
0x13: {  	[tilespmem:s21+$0x1000] =	vst v0  }
0x14: {  	[tilespmem:s21+$0x9000] =	vst v1  }
0x15: {  	[tilespmem:s21+$0x1010] =	vst v0  }
0x16: {  	[tilespmem:s21+$0x9010] =	vst v1  }
0x17: {  	[tilespmem:s21+$0x1020] =	vst v0  }
0x18: {  	[tilespmem:s21+$0x9020] =	vst v1  }
0x19: {  	[tilespmem:s21+$0x1030] =	vst v0  }
0x1a: {  	[tilespmem:s21+$0x9030] =	vst v1  }
0x1b: {  	[tilespmem:s21+$0x1040] =	vst v0  }
0x1c: {  	[tilespmem:s21+$0x9040] =	vst v1  }
.Ltmp0:
0x1d: {  	[tilespmem:s21+$0x1050] =	vst v0;
	(pc) =	sbr.rel @p0 .LBB2_2-.Ltmp0, $4  }
0x1e: {  	[tilespmem:s21+$0x9050] =	vst v1  }
0x1f: {  	[tilespmem:s21+$0x1060] =	vst v0  }
0x20: {  	[tilespmem:s21+$0x9060] =	vst v1  }
0x21: {  	[tilespmem:s21+$0x1070] =	vst v0;
	s21 =	sshra.s32 s22, $0x2;
	s22 =	sadd.s32 $0x200, s22  }
0x22: {  	[tilespmem:s21+$0x9070] =	vst v1  }
0x23: {  	[tilespmem:s21+$0x1000] =	vst v0  }
0x24: {  	[tilespmem:s21+$0x9000] =	vst v1  }
0x25: {  	[tilespmem:s21+$0x1010] =	vst v0  }
0x26: {  	[tilespmem:s21+$0x9010] =	vst v1  }
0x27: {  	[tilespmem:s21+$0x1020] =	vst v0  }
0x28: {  	[tilespmem:s21+$0x9020] =	vst v1  }
0x29: {  	[tilespmem:s21+$0x1030] =	vst v0  }
0x2a: {  	[tilespmem:s21+$0x9030] =	vst v1  }
0x2b: {  	[tilespmem:s21+$0x1040] =	vst v0  }
0x2c: {  	[tilespmem:s21+$0x9040] =	vst v1  }
0x2d: {  	[tilespmem:s21+$0x1050] =	vst v0  }
0x2e: {  	[tilespmem:s21+$0x9050] =	vst v1  }
0x2f: {  	[tilespmem:s21+$0x1060] =	vst v0  }
0x30: {  	[tilespmem:s21+$0x9060] =	vst v1  }
0x31: {  	[tilespmem:s21+$0x1070] =	vst v0;
	s21 =	simm.s32 $0x0  }
0x32: {  	[tilespmem:s21], [sflag:$0x4] =	stream.linear.gather [hbm4b:s6+s21], $0x800, $0x38;
	[tilespmem:$0x11000] =	vst v63  }
0x33: {  	_ =	swait.ge [sflag:s13], $0x800  }
0x34: {  	[sflag:s13] =	ssyncset.done $0x0  }
0x35: {  	s22 =	simm.s32 $0x800;
	[sflag:s13] =	ssyncadd.s32 $0xFFFFF800  }
0x36: {  	[tilespmem:s22], [sflag:$0x4] =	stream.linear.gather [hbm4b:s7+s21], $0x800, $0x38;
	[tilespmem:$0x11000] =	vst v63  }
0x37: {  	_ =	swait.ge [sflag:s13], $0x800  }
0x38: {  	[sflag:s13] =	ssyncset.done $0x0  }
0x39: {  	[sflag:s13] =	ssyncadd.s32 $0xFFFFF800  }
0x3a: {  	[spmem:s8] =	stream.linear.scatter [tilespmem:s14], [sflag:$0x4], $0x2000, $0x38;
	[tilespmem:$0x11000] =	vst v63  }
0x3b: {  	_ =	swait.ge [sflag:s13], $0x2000  }
0x3c: {  	[sflag:s13] =	ssyncset.done $0x0  }
0x3d: {  	[sflag:s13] =	ssyncadd.s32 $0xFFFFE000  }
0x3e: {  	[spmem:s9] =	stream.linear.scatter [tilespmem:s14], [sflag:$0x4], $0x2000, $0x38;
	[tilespmem:$0x11000] =	vst v63  }
0x3f: {  	_ =	swait.ge [sflag:s13], $0x2000  }
0x40: {  	s24 =	sand.u32 $0x1, s21;
	[sflag:s13] =	ssyncset.done $0x0  }
0x41: {  	p0 =	seq.s32 s24, $0x1;
	[sflag:s13] =	ssyncadd.s32 $0xFFFFE000  }
0x42: {  	s23 =	simm.s32 $0x80;
	s24 =	simm.s32 @p0 $0x1;
	[bflag:$0x0] =	sbarrier.arrive $0xFFFF  }
0x43: {  	[tilespmem:s15], [sflag:$0x2] =	stream.indirect.gather [hbm4b:s5+s23], $0x80, s21, s23, $0xb8;
	[tilespmem:$0x11000] =	vst v63  }
0x44: {  	s25 =	simm.s32 @!p0 $0x2;
	s21 =	smin.u32 @p0 s21, $0xE;
	_ =	swait.ge @p0 [sflag:s24], $0x4000  }
0x45: {  	s26 =	simm.s32 @p0 $0x5000;
	s21 =	sshll.u32 @p0 s21, $0x7;
	[sflag:s24] =	ssyncset.done @p0 $0x0  }
0x46: {  	s21 =	sadd.s32 @p0 $0x80, s21;
	[sflag:s24] =	ssyncadd.s32 @p0 $0xFFFFC000;
	s24 =	simm.s32 @p0 $0x80  }
0x47: {  	[tilespmem:s26], [sflag:$0x2] =	stream.indirect.gather @p0 [hbm4b:s5+s24], $0x80, s21, s24, $0xb8;
	[tilespmem:$0x11000] =	vst v63  }
0x48: {  	_ =	swait.ge @!p0 [sflag:s25], $0x4000  }
0x49: {  	[sflag:s25] =	ssyncset.done @!p0 $0x0  }
0x4a: {  	s21 =	simm.s32 @!p0 $0x80;
	s24 =	simm.s32 @!p0 $0x1000;
	[sflag:s25] =	ssyncadd.s32 @!p0 $0xFFFFC000  }
0x4b: {  	[tilespmem:s24], [sflag:$0x1] =	stream.indirect.gather @!p0 [hbm4b:s5+s21], $0x80, s23, s21, $0xb8;
	[tilespmem:$0x11000] =	vst v63  }
0x4c: {  	s21 =	simm.s32 @!p0 $0x5000  }
0x4d: {  	[spmem:s2] =	stream.indirect.scatter.add.f32 [tilespmem:s17], [sflag:$0x3], $0x80, s22, s16, $0xb8;
	[tilespmem:$0x11000] =	vst v63  }
0x4e: {  	s21 =	simm.s32 @p0 $0x1000  }
0x4f: {  	[spmem:s1] =	stream.indirect.scatter.add.f32 [tilespmem:s21], [sflag:$0x4], $0x80, s22, s16, $0xb8;
	[tilespmem:$0x11000] =	vst v63  }
0x50: {  	_ =	swait.ge [sflag:s13], $0x4000  }
0x51: {  	s24 =	simm.s32 $0x1;
	[sflag:s13] =	ssyncset.done $0x0  }
0x52: {  	s31 =	sand.u32 $0x1, s24;
	[sflag:s13] =	ssyncadd.s32 $0xFFFFC000  }
0x53: {  	s23 =	simm.s32 $0x2;
	p0 =	seq.s32 s31, $0x1;
	_ =	swait.ge [sflag:s18], $0x4000  }
0x54: {  	s22 =	simm.s32 $0x100;
	s21 =	simm.s32 $0x880;
	[sflag:s18] =	ssyncset.done $0x0  }
.LBB2_4:
0x55: {  	s25 =	simm.s32 @p0 $0x1  }
0x56: {  	[sflag:s18] =	ssyncadd.s32 $0xFFFFC000;
	s26 =	smov.u32 s23;
	s23 =	sadd.s32 $0x1, s23  }
0x57: {  	s24 =	smin.u32 @p0 s24, $0xE;
	s28 =	simm.s32 @!p0 $0x2;
	_ =	swait.ge @p0 [sflag:s25], $0x4000  }
0x58: {  	s29 =	simm.s32 @p0 $0x5000;
	s24 =	sshll.u32 @p0 s24, $0x7;
	[sflag:s25] =	ssyncset.done @p0 $0x0  }
0x59: {  	s24 =	sadd.s32 @p0 $0x80, s24;
	[sflag:s25] =	ssyncadd.s32 @p0 $0xFFFFC000;
	s25 =	simm.s32 @p0 $0x80  }
0x5a: {  	[tilespmem:s29], [sflag:$0x2] =	stream.indirect.gather @p0 [hbm4b:s5+s25], $0x80, s24, s25, $0xb8;
	[tilespmem:$0x11000] =	vst v63  }
0x5b: {  	p1 =	sne.s32 s23, $0x10;
	s24 =	smov.u32 s26;
	_ =	swait.ge @!p0 [sflag:s28], $0x4000  }
0x5c: {  	[sflag:s28] =	ssyncset.done @!p0 $0x0  }
0x5d: {  	s25 =	simm.s32 @!p0 $0x80;
	s26 =	simm.s32 @!p0 $0x1000;
	[sflag:s28] =	ssyncadd.s32 @!p0 $0xFFFFC000  }
0x5e: {  	[tilespmem:s26], [sflag:$0x1] =	stream.indirect.gather @!p0 [hbm4b:s5+s25], $0x80, s22, s25, $0xb8;
	[tilespmem:$0x11000] =	vst v63  }
0x5f: {  	s25 =	simm.s32 @!p0 $0x5000  }
0x60: {  	[spmem:s2] =	stream.indirect.scatter.add.f32 [tilespmem:s17], [sflag:$0x3], $0x80, s21, s16, $0xb8;
	[tilespmem:$0x11000] =	vst v63  }
0x61: {  	s25 =	simm.s32 @p0 $0x1000  }
0x62: {  	[spmem:s1] =	stream.indirect.scatter.add.f32 [tilespmem:s25], [sflag:$0x4], $0x80, s21, s16, $0xb8;
	[tilespmem:$0x11000] =	vst v63  }
.Ltmp1:
0x63: {  	_ =	swait.ge [sflag:s13], $0x4000;
	(pc) =	sbr.rel @p1 .LBB2_4-.Ltmp1, $4  }
0x64: {  	[sflag:s13] =	ssyncset.done $0x0  }
0x65: {  	[sflag:s13] =	ssyncadd.s32 $0xFFFFC000  }
0x66: {  	s22 =	sadd.s32 $0x80, s22;
	s25 =	sand.u32 $0x1, s24;
	_ =	swait.ge [sflag:s18], $0x4000  }
0x67: {  	s21 =	sadd.s32 $0x80, s21;
	p0 =	seq.s32 s25, $0x1;
	[sflag:s18] =	ssyncset.done $0x0  }
0x68: {  	s23 =	simm.s32 @p0 $0x1;
	[sflag:s18] =	ssyncadd.s32 $0xFFFFC000  }
0x69: {  	s24 =	smin.u32 @p0 s24, $0xE;
	s25 =	simm.s32 @!p0 $0x2;
	_ =	swait.ge @p0 [sflag:s23], $0x4000  }
0x6a: {  	s26 =	simm.s32 @p0 $0x5000;
	s24 =	sshll.u32 @p0 s24, $0x7;
	[sflag:s23] =	ssyncset.done @p0 $0x0  }
0x6b: {  	[sflag:s23] =	ssyncadd.s32 @p0 $0xFFFFC000;
	s23 =	sadd.s32 @p0 $0x80, s24;
	s24 =	simm.s32 @p0 $0x80  }
0x6c: {  	[tilespmem:s26], [sflag:$0x2] =	stream.indirect.gather @p0 [hbm4b:s5+s24], $0x80, s23, s24, $0xb8;
	[tilespmem:$0x11000] =	vst v63  }
0x6d: {  	_ =	swait.ge @!p0 [sflag:s25], $0x4000  }
0x6e: {  	[sflag:s25] =	ssyncset.done @!p0 $0x0  }
0x6f: {  	s23 =	simm.s32 @!p0 $0x80;
	s24 =	simm.s32 @!p0 $0x1000;
	[sflag:s25] =	ssyncadd.s32 @!p0 $0xFFFFC000  }
0x70: {  	[tilespmem:s24], [sflag:$0x1] =	stream.indirect.gather @!p0 [hbm4b:s5+s23], $0x80, s22, s23, $0xb8;
	[tilespmem:$0x11000] =	vst v63  }
0x71: {  	s22 =	simm.s32 @!p0 $0x5000  }
0x72: {  	[spmem:s2] =	stream.indirect.scatter.add.f32 [tilespmem:s17], [sflag:$0x3], $0x80, s21, s16, $0xb8;
	[tilespmem:$0x11000] =	vst v63  }
0x73: {  	s22 =	simm.s32 @p0 $0x1000  }
0x74: {  	[spmem:s1] =	stream.indirect.scatter.add.f32 [tilespmem:s22], [sflag:$0x4], $0x80, s21, s16, $0xb8;
	[tilespmem:$0x11000] =	vst v63  }
0x75: {  	_ =	swait.ge [sflag:s13], $0x4000  }
0x76: {  	[sflag:s13] =	ssyncset.done $0x0  }
0x77: {  	[sflag:s13] =	ssyncadd.s32 $0xFFFFC000  }
0x78: {  	_ =	swait.ge [sflag:s18], $0x4000  }
0x79: {  	[sflag:s18] =	ssyncset.done $0x0  }
0x7a: {  	[sflag:s18] =	ssyncadd.s32 $0xFFFFC000  }
0x7b: {  	_ =	swait.ge [sflag:s19], $0x4000  }
0x7c: {  	[sflag:s19] =	ssyncset.done $0x0  }
0x7d: {  	[sflag:s19] =	ssyncadd.s32 $0xFFFFC000  }
0x7e: {  	[bflag:$0x0] =	sbarrier.arrive $0xFFFF  }
0x7f: {  	[tilespmem:s14], [sflag:$0x4] =	stream.linear.gather [spmem:s8], $0x2000, $0x38;
	[tilespmem:$0x11000] =	vst v63  }
0x80: {  	_ =	swait.ge [sflag:s13], $0x2000  }
0x81: {  	[sflag:s13] =	ssyncset.done $0x0  }
0x82: {  	[sflag:s13] =	ssyncadd.s32 $0xFFFFE000  }
0x83: {  	[hbm4b:s10+s3] =	stream.linear.scatter [tilespmem:s14], [sflag:$0x4], $0x2000, $0x38;
	[tilespmem:$0x11000] =	vst v63  }
0x84: {  	_ =	swait.ge [sflag:s13], $0x2000  }
0x85: {  	[sflag:s13] =	ssyncset.done $0x0  }
0x86: {  	[sflag:s13] =	ssyncadd.s32 $0xFFFFE000  }
0x87: {  	[tilespmem:s17], [sflag:$0x4] =	stream.linear.gather [spmem:s9], $0x2000, $0x38;
	[tilespmem:$0x11000] =	vst v63  }
0x88: {  	s20 =	sadd.s32 $0x1, s20;
	_ =	swait.ge [sflag:s13], $0x2000  }
0x89: {  	p0 =	sne.s32 s20, s12;
	[sflag:s13] =	ssyncset.done $0x0  }
.Ltmp2:
0x8a: {  	[sflag:s13] =	ssyncadd.s32 $0xFFFFE000;
	(pc) =	sbr.rel @p0 .LBB2_1-.Ltmp2, $4  }
0x8b: {  	[hbm4b:s11+s3] =	stream.linear.scatter [tilespmem:s17], [sflag:$0x4], $0x2000, $0x38;
	[tilespmem:$0x11000] =	vst v63  }
0x8c: {  	_ =	swait.ge [sflag:s13], $0x2000  }
0x8d: {  	[sflag:s13] =	ssyncset.done $0x0  }
0x8e: {  	[sflag:s13] =	ssyncadd.s32 $0xFFFFE000  }
0x8f: {  	_ =	sfence.sel $0x180000  }
0x90: {  	[bflag:$0x0] =	sbarrier.arrive $0xFFFF  }
0x91: {  	p0 =	sne.s32 s4, $0x0;
	_ =	strace $0x9000004A  }
0x92: {  	s0 =	sadd.s32 @!p0 $0x100000, s0;
	[bflag:$0x2] =	sbarrier.arrive $0xFFFF  }
0x93: {  	[sflag:s0] =	ssyncadd.tile.s32 @!p0 $0x1;
	_ =	shalt  }
.Lfunc_end2:
_tile_overlayer_lowered:
.L_overlay_start_2:
0x94: {  	(tag) =	ssettag $0x2  }
0x95: {  	s0 =	rddreg [dreg:$0x0];
	s2 =	stileid.u32  }
0x96: {  	s1 =	rddreg [dreg:$0x1];
	p0 =	sne.s32 s2, $0x0  }
0x97: {  	s3 =	rddreg [dreg:$0x2];
	[bflag:$0x3] =	sbarrier.arrive $0xFFFF;
	s2 =	simm.s32 @!p0 $0x1C04  }
0x98: {  	[timem:s3], [sflag:s2] =	dma.local @!p0 [hbm:s0], s1  }
0x99: {  	s0 =	simm.s32 @!p0 $0x4  }
0x9a: {  	_ =	swait.ge @!p0 [sflag:s0], s1  }
0x9b: {  	s1 =	ssub.s32 @!p0 $0x0, s1;
	[sflag:s0] =	ssyncset.done @!p0 $0x0  }
0x9c: {  	[sflag:s0] =	ssyncadd.s32 @!p0 s1  }
0x9d: {  	[bflag:$0x3] =	sbarrier.arrive $0xFFFF  }
0x9e: {  	_ =	shalt  }

</sc_bundles>
